<compile_context>
chip_gen: v7x
topology: tpu7x:2x2x1
jax: 0.10.2.dev20260603
libtpu: 0.0.44.dev20260713+nightly
codegen_flags: <defaults>
</compile_context>

<pallas_src>
import functools

import jax
import jax.numpy as jnp
from jax import lax
from jax.experimental import pallas as pl
from jax.experimental.pallas import tpu as pltpu
from jax.experimental.pallas import tpu_sc as plsc

N = 10000
E = 320000
D = 128
NC = 2
NS = 16
NW = NC * NS
EPW = E // NW
K = 80
NCHUNK = EPW // K
NB = 4
NI = 8
MAIN = 120
RPT = 624
REM = N - RPT * NS


def _sc_partial(data, se, de, zeros):
    mesh = plsc.VectorSubcoreMesh(
        core_axis_name="c", subcore_axis_name="s", num_cores=NC
    )

    @functools.partial(
        pl.kernel,
        out_type=jax.ShapeDtypeStruct((NC, N, D), jnp.float32),
        mesh=mesh,
        scratch_types=[pltpu.VMEM_SHARED((N, D), jnp.float32)]
        + [pltpu.VMEM((K,), jnp.int32) for _ in range(2 * NI)]
        + [pltpu.VMEM((K, D), jnp.float32) for _ in range(NB)]
        + [pltpu.SemaphoreType.DMA for _ in range(NI + 2 * NB + 1)],
    )
    def k(data_hbm, se_hbm, de_hbm, zero_hbm, out_hbm, acc, *scr):
        srcb = scr[0:NI]
        dstb = scr[NI:2 * NI]
        rows = scr[2 * NI:2 * NI + NB]
        isem = scr[2 * NI + NB:2 * NI + NB + NI]
        gsem = scr[2 * NI + NB + NI:2 * NI + NB + NI + NB]
        ssem = scr[2 * NI + NB + NI + NB:2 * NI + NB + NI + 2 * NB]
        zsem = scr[2 * NI + NB + NI + 2 * NB]
        c = lax.axis_index("c")
        s = lax.axis_index("s")
        wid = s * NC + c

        pltpu.async_copy(
            zero_hbm.at[pl.ds(s * RPT, RPT)], acc.at[pl.ds(s * RPT, RPT)], zsem
        )

        @pl.when(s == 0)
        def _zero_rem():
            pltpu.async_copy(
                zero_hbm.at[pl.ds(RPT * NS, REM)], acc.at[pl.ds(RPT * NS, REM)],
                zsem,
            )

        base0 = wid * EPW

        def start_idx(g, bi):
            pltpu.async_copy(se_hbm.at[pl.ds(base0 + g * K, K)], srcb[bi], isem[bi])
            pltpu.async_copy(de_hbm.at[pl.ds(base0 + g * K, K)], dstb[bi], isem[bi])

        def wait_idx(g, bi):
            pltpu.make_async_copy(
                se_hbm.at[pl.ds(base0 + g * K, K)], srcb[bi], isem[bi]
            ).wait()
            pltpu.make_async_copy(
                de_hbm.at[pl.ds(base0 + g * K, K)], dstb[bi], isem[bi]
            ).wait()

        def start_gather(b, bi):
            pltpu.async_copy(data_hbm.at[srcb[bi]], rows[b], gsem[b])

        def wait_gather(b, bi):
            pltpu.make_async_copy(data_hbm.at[srcb[bi]], rows[b], gsem[b]).wait()

        def start_scatter(b, bi):
            pltpu.async_copy(rows[b], acc.at[dstb[bi]], ssem[b], add=True)

        def wait_scatter(b, bi):
            pltpu.make_async_copy(rows[b], acc.at[dstb[bi]], ssem[b]).wait()

        for g in range(NB):
            start_idx(g, g % NI)
        for g in range(NB - 1):
            wait_idx(g, g % NI)
            start_gather(g % NB, g % NI)

        pltpu.make_async_copy(
            zero_hbm.at[pl.ds(s * RPT, RPT)], acc.at[pl.ds(s * RPT, RPT)], zsem
        ).wait()

        @pl.when(s == 0)
        def _zero_rem_wait():
            pltpu.make_async_copy(
                zero_hbm.at[pl.ds(RPT * NS, REM)], acc.at[pl.ds(RPT * NS, REM)],
                zsem,
            ).wait()

        plsc.subcore_barrier()

        for g in range(NI):
            wait_gather(g % NB, g % NI)
            if g > 0:
                wait_scatter((g - 1) % NB, (g - 1) % NI)
            wait_idx(g + 3, (g + 3) % NI)
            start_gather((g + 3) % NB, (g + 3) % NI)
            start_scatter(g % NB, g % NI)
            start_idx(g + NB, (g + NB) % NI)

        @pl.loop(NI, MAIN, step=NI)
        def _grp(g0):
            for j in range(NI):
                g = g0 + j
                wait_gather(j % NB, j)
                wait_scatter((j - 1) % NB, (j - 1) % NI)
                wait_idx(g + 3, (j + 3) % NI)
                start_gather((j + 3) % NB, (j + 3) % NI)
                start_scatter(j % NB, j)
                start_idx(g + NB, (j + NB) % NI)

        for g in range(MAIN, NCHUNK):
            b = g % NB
            bi = g % NI
            wait_gather(b, bi)
            wait_scatter((g - 1) % NB, (g - 1) % NI)
            if g + 3 < NCHUNK:
                wait_idx(g + 3, (g + 3) % NI)
                start_gather((g + 3) % NB, (g + 3) % NI)
            start_scatter(b, bi)
            if g + NB < NCHUNK:
                start_idx(g + NB, (g + NB) % NI)
        wait_scatter((NCHUNK - 1) % NB, (NCHUNK - 1) % NI)

        plsc.subcore_barrier()
        pltpu.sync_copy(
            acc.at[pl.ds(s * RPT, RPT)], out_hbm.at[c, pl.ds(s * RPT, RPT)]
        )

        @pl.when(s == 0)
        def _flush_rem():
            pltpu.sync_copy(
                acc.at[pl.ds(RPT * NS, REM)], out_hbm.at[c, pl.ds(RPT * NS, REM)]
            )

    return k(data, se, de, zeros)


def _combine(partial):
    def body(p_ref, o_ref):
        o_ref[...] = p_ref[0] + p_ref[1]

    return pl.pallas_call(
        body,
        out_shape=jax.ShapeDtypeStruct((N, D), jnp.float32),
        grid=(5,),
        in_specs=[pl.BlockSpec((2, 2000, D), lambda i: (0, i, 0))],
        out_specs=pl.BlockSpec((2000, D), lambda i: (i, 0)),
    )(partial)


@jax.jit
def kernel(data, edge_index):
    se = edge_index[0]
    de = edge_index[1]
    zeros = jnp.zeros((N, D), jnp.float32)
    partial = _sc_partial(data, se, de, zeros)
    return _combine(partial)

# --- scband reference (transcript-rebuilt; emitter-appended) ---
"""Pipeline reference for scband-gcn-41394894799404 (READ-ONLY COPY).

The authoritative reference and input builder live on the scoring server;
editing this copy changes nothing except your own understanding.
"""

import jax, jax.numpy as jnp
import numpy as np

N_NODES = 10000
N_EDGES = 320000
D_FEAT = 128


def setup_inputs(seed: int = 0) -> dict:
    key = jax.random.key(seed)
    k1, k2 = jax.random.split(key)
    data = jax.random.normal(k1, (N_NODES, D_FEAT), dtype=jnp.float32)
    edge_index = jax.random.randint(k2, (2, N_EDGES), 0, N_NODES, dtype=jnp.int32)
    return {"data": data, "edge_index": edge_index}


def reference(data, edge_index):
    # GCN forward with func='sum', module_pre=None, module_post=None:
    #   g.set_data('h', data)              -> node features h = data
    #   g.push(func='sum', data='hidden')  -> for each edge (src, dst):
    #                                         hidden[dst] += h[src]  (scatter-add message passing)
    #   g.pop_data('hidden')               -> return aggregated hidden
    src = edge_index[0]
    dst = edge_index[1]
    messages = jnp.take(data, src, axis=0)              # gather: [E, D]
    hidden = jax.ops.segment_sum(messages, dst, num_segments=N_NODES)  # scatter-add: [N, D]
    return hidden

if __name__ == "__main__":
    import jax
    _d = setup_inputs()
    print(jax.jit(kernel)(*tuple(_d.values())))

</pallas_src>

<mosaic_0001>
#map = affine_map<(d0, d1) -> (0, 0)>
#map1 = affine_map<(d0, d1) -> (0)>
#map2 = affine_map<(d0, d1) -> (0, 0, 0)>
module attributes {stable_mosaic.version = 14 : i64} {
  func.func @k(%arg0: i32, %arg1: i32, %arg2: memref<10000x128xf32, #tpu.memory_space<hbm>>, %arg3: memref<320000xi32, #tpu.memory_space<hbm>>, %arg4: memref<320000xi32, #tpu.memory_space<hbm>>, %arg5: memref<10000x128xf32, #tpu.memory_space<hbm>>, %arg6: memref<2x10000x128xf32, #tpu.memory_space<hbm>>, %arg7: memref<10000x128xf32, #tpu.memory_space<vmem_shared>>, %arg8: memref<80xi32, #tpu.memory_space<vmem>>, %arg9: memref<80xi32, #tpu.memory_space<vmem>>, %arg10: memref<80xi32, #tpu.memory_space<vmem>>, %arg11: memref<80xi32, #tpu.memory_space<vmem>>, %arg12: memref<80xi32, #tpu.memory_space<vmem>>, %arg13: memref<80xi32, #tpu.memory_space<vmem>>, %arg14: memref<80xi32, #tpu.memory_space<vmem>>, %arg15: memref<80xi32, #tpu.memory_space<vmem>>, %arg16: memref<80xi32, #tpu.memory_space<vmem>>, %arg17: memref<80xi32, #tpu.memory_space<vmem>>, %arg18: memref<80xi32, #tpu.memory_space<vmem>>, %arg19: memref<80xi32, #tpu.memory_space<vmem>>, %arg20: memref<80xi32, #tpu.memory_space<vmem>>, %arg21: memref<80xi32, #tpu.memory_space<vmem>>, %arg22: memref<80xi32, #tpu.memory_space<vmem>>, %arg23: memref<80xi32, #tpu.memory_space<vmem>>, %arg24: memref<80x128xf32, #tpu.memory_space<vmem>>, %arg25: memref<80x128xf32, #tpu.memory_space<vmem>>, %arg26: memref<80x128xf32, #tpu.memory_space<vmem>>, %arg27: memref<80x128xf32, #tpu.memory_space<vmem>>, %arg28: memref<!tpu.dma_semaphore, #tpu.memory_space<semaphore_mem>>, %arg29: memref<!tpu.dma_semaphore, #tpu.memory_space<semaphore_mem>>, %arg30: memref<!tpu.dma_semaphore, #tpu.memory_space<semaphore_mem>>, %arg31: memref<!tpu.dma_semaphore, #tpu.memory_space<semaphore_mem>>, %arg32: memref<!tpu.dma_semaphore, #tpu.memory_space<semaphore_mem>>, %arg33: memref<!tpu.dma_semaphore, #tpu.memory_space<semaphore_mem>>, %arg34: memref<!tpu.dma_semaphore, #tpu.memory_space<semaphore_mem>>, %arg35: memref<!tpu.dma_semaphore, #tpu.memory_space<semaphore_mem>>, %arg36: memref<!tpu.dma_semaphore, #tpu.memory_space<semaphore_mem>>, %arg37: memref<!tpu.dma_semaphore, #tpu.memory_space<semaphore_mem>>, %arg38: memref<!tpu.dma_semaphore, #tpu.memory_space<semaphore_mem>>, %arg39: memref<!tpu.dma_semaphore, #tpu.memory_space<semaphore_mem>>, %arg40: memref<!tpu.dma_semaphore, #tpu.memory_space<semaphore_mem>>, %arg41: memref<!tpu.dma_semaphore, #tpu.memory_space<semaphore_mem>>, %arg42: memref<!tpu.dma_semaphore, #tpu.memory_space<semaphore_mem>>, %arg43: memref<!tpu.dma_semaphore, #tpu.memory_space<semaphore_mem>>, %arg44: memref<!tpu.dma_semaphore, #tpu.memory_space<semaphore_mem>>) attributes {dimension_semantics = [#tpu.dimension_semantics<core_parallel>, #tpu.dimension_semantics<subcore_parallel>], iteration_bounds = array<i64: 2, 16>, scalar_prefetch = 0 : i64, scratch_operands = 38 : i64, tpu.core_type = #tpu.core_type<sc_vector_subcore>, window_params = [{transform_indices = #map}, {transform_indices = #map1}, {transform_indices = #map1}, {transform_indices = #map}, {transform_indices = #map2}]} {
    %mul3A = arith.constant 2 : i32
    %mul3A_0 = arith.muli %arg1, %mul3A : i32
    %add3A = arith.addi %mul3A_0, %arg0 : i32
    %mul3A_1 = arith.constant 624 : i32
    %mul3A_2 = arith.muli %arg1, %mul3A_1 : i32
    %mul3A_3 = arith.constant 624 : i32
    %mul3A_4 = arith.muli %arg1, %mul3A_3 : i32
    %dma_start3A = arith.constant 0 : i32
    %dma_start3A_5 = tpu.memref_slice %arg7[%mul3A_4, %dma_start3A] : memref<10000x128xf32, #tpu.memory_space<vmem_shared>> -> memref<624x128xf32, #tpu.memory_space<vmem_shared>>
    %dma_start3A_6 = arith.constant 0 : i32
    %dma_start3A_7 = tpu.memref_slice %arg5[%mul3A_2, %dma_start3A_6] : memref<10000x128xf32, #tpu.memory_space<hbm>> -> memref<624x128xf32, #tpu.memory_space<hbm>>
    tpu.enqueue_dma source(%dma_start3A_7 : memref<624x128xf32, #tpu.memory_space<hbm>>) target(%dma_start3A_5 : memref<624x128xf32, #tpu.memory_space<vmem_shared>>) target_semaphore(%arg44 : memref<!tpu.dma_semaphore, #tpu.memory_space<semaphore_mem>>)
    %eq3A = arith.constant 0 : i32
    %eq3A_8 = arith.cmpi eq, %arg1, %eq3A : i32
    %convert_element_type3A = arith.extui %eq3A_8 : i1 to i32
    %cond3A = arith.constant 0 : i32
    %cond3A_9 = arith.cmpi ne, %convert_element_type3A, %cond3A : i32
    scf.if %cond3A_9 {
      %dma_start3A_402 = arith.constant 9984 : i32
      %dma_start3A_403 = arith.constant 0 : i32
      %dma_start3A_404 = tpu.memref_slice %arg7[%dma_start3A_402, %dma_start3A_403] : memref<10000x128xf32, #tpu.memory_space<vmem_shared>> -> memref<16x128xf32, #tpu.memory_space<vmem_shared>>
      %dma_start3A_405 = arith.constant 9984 : i32
      %dma_start3A_406 = arith.constant 0 : i32
      %dma_start3A_407 = tpu.memref_slice %arg5[%dma_start3A_405, %dma_start3A_406] : memref<10000x128xf32, #tpu.memory_space<hbm>> -> memref<16x128xf32, #tpu.memory_space<hbm>>
      tpu.enqueue_dma source(%dma_start3A_407 : memref<16x128xf32, #tpu.memory_space<hbm>>) target(%dma_start3A_404 : memref<16x128xf32, #tpu.memory_space<vmem_shared>>) target_semaphore(%arg44 : memref<!tpu.dma_semaphore, #tpu.memory_space<semaphore_mem>>)
    } else {
    }
    %mul3A_10 = arith.constant 10000 : i32
    %mul3A_11 = arith.muli %add3A, %mul3A_10 : i32
    %add3A_12 = arith.constant 0 : i32
    %add3A_13 = arith.addi %mul3A_11, %add3A_12 : i32
    %dma_start3A_14 = tpu.memref_slice %arg3[%add3A_13] : memref<320000xi32, #tpu.memory_space<hbm>> -> memref<80xi32, #tpu.memory_space<hbm>>
    %dma_start3A_15 = tpu.memref_slice %arg3[%add3A_13] : memref<320000xi32, #tpu.memory_space<hbm>> -> memref<80xi32, #tpu.memory_space<hbm>>
    tpu.enqueue_dma source(%dma_start3A_15 : memref<80xi32, #tpu.memory_space<hbm>>) target(%arg8 : memref<80xi32, #tpu.memory_space<vmem>>) target_semaphore(%arg28 : memref<!tpu.dma_semaphore, #tpu.memory_space<semaphore_mem>>)
    %add3A_16 = arith.constant 0 : i32
    %add3A_17 = arith.addi %mul3A_11, %add3A_16 : i32
    %dma_start3A_18 = tpu.memref_slice %arg4[%add3A_17] : memref<320000xi32, #tpu.memory_space<hbm>> -> memref<80xi32, #tpu.memory_space<hbm>>
    %dma_start3A_19 = tpu.memref_slice %arg4[%add3A_17] : memref<320000xi32, #tpu.memory_space<hbm>> -> memref<80xi32, #tpu.memory_space<hbm>>
    tpu.enqueue_dma source(%dma_start3A_19 : memref<80xi32, #tpu.memory_space<hbm>>) target(%arg16 : memref<80xi32, #tpu.memory_space<vmem>>) target_semaphore(%arg28 : memref<!tpu.dma_semaphore, #tpu.memory_space<semaphore_mem>>)
    %add3A_20 = arith.constant 80 : i32
    %add3A_21 = arith.addi %mul3A_11, %add3A_20 : i32
    %dma_start3A_22 = tpu.memref_slice %arg3[%add3A_21] : memref<320000xi32, #tpu.memory_space<hbm>> -> memref<80xi32, #tpu.memory_space<hbm>>
    %dma_start3A_23 = tpu.memref_slice %arg3[%add3A_21] : memref<320000xi32, #tpu.memory_space<hbm>> -> memref<80xi32, #tpu.memory_space<hbm>>
    tpu.enqueue_dma source(%dma_start3A_23 : memref<80xi32, #tpu.memory_space<hbm>>) target(%arg9 : memref<80xi32, #tpu.memory_space<vmem>>) target_semaphore(%arg29 : memref<!tpu.dma_semaphore, #tpu.memory_space<semaphore_mem>>)
    %add3A_24 = arith.constant 80 : i32
    %add3A_25 = arith.addi %mul3A_11, %add3A_24 : i32
    %dma_start3A_26 = tpu.memref_slice %arg4[%add3A_25] : memref<320000xi32, #tpu.memory_space<hbm>> -> memref<80xi32, #tpu.memory_space<hbm>>
    %dma_start3A_27 = tpu.memref_slice %arg4[%add3A_25] : memref<320000xi32, #tpu.memory_space<hbm>> -> memref<80xi32, #tpu.memory_space<hbm>>
    tpu.enqueue_dma source(%dma_start3A_27 : memref<80xi32, #tpu.memory_space<hbm>>) target(%arg17 : memref<80xi32, #tpu.memory_space<vmem>>) target_semaphore(%arg29 : memref<!tpu.dma_semaphore, #tpu.memory_space<semaphore_mem>>)
    %add3A_28 = arith.constant 160 : i32
    %add3A_29 = arith.addi %mul3A_11, %add3A_28 : i32
    %dma_start3A_30 = tpu.memref_slice %arg3[%add3A_29] : memref<320000xi32, #tpu.memory_space<hbm>> -> memref<80xi32, #tpu.memory_space<hbm>>
    %dma_start3A_31 = tpu.memref_slice %arg3[%add3A_29] : memref<320000xi32, #tpu.memory_space<hbm>> -> memref<80xi32, #tpu.memory_space<hbm>>
    tpu.enqueue_dma source(%dma_start3A_31 : memref<80xi32, #tpu.memory_space<hbm>>) target(%arg10 : memref<80xi32, #tpu.memory_space<vmem>>) target_semaphore(%arg30 : memref<!tpu.dma_semaphore, #tpu.memory_space<semaphore_mem>>)
    %add3A_32 = arith.constant 160 : i32
    %add3A_33 = arith.addi %mul3A_11, %add3A_32 : i32
    %dma_start3A_34 = tpu.memref_slice %arg4[%add3A_33] : memref<320000xi32, #tpu.memory_space<hbm>> -> memref<80xi32, #tpu.memory_space<hbm>>
    %dma_start3A_35 = tpu.memref_slice %arg4[%add3A_33] : memref<320000xi32, #tpu.memory_space<hbm>> -> memref<80xi32, #tpu.memory_space<hbm>>
    tpu.enqueue_dma source(%dma_start3A_35 : memref<80xi32, #tpu.memory_space<hbm>>) target(%arg18 : memref<80xi32, #tpu.memory_space<vmem>>) target_semaphore(%arg30 : memref<!tpu.dma_semaphore, #tpu.memory_space<semaphore_mem>>)
    %add3A_36 = arith.constant 240 : i32
    %add3A_37 = arith.addi %mul3A_11, %add3A_36 : i32
    %dma_start3A_38 = tpu.memref_slice %arg3[%add3A_37] : memref<320000xi32, #tpu.memory_space<hbm>> -> memref<80xi32, #tpu.memory_space<hbm>>
    %dma_start3A_39 = tpu.memref_slice %arg3[%add3A_37] : memref<320000xi32, #tpu.memory_space<hbm>> -> memref<80xi32, #tpu.memory_space<hbm>>
    tpu.enqueue_dma source(%dma_start3A_39 : memref<80xi32, #tpu.memory_space<hbm>>) target(%arg11 : memref<80xi32, #tpu.memory_space<vmem>>) target_semaphore(%arg31 : memref<!tpu.dma_semaphore, #tpu.memory_space<semaphore_mem>>)
    %add3A_40 = arith.constant 240 : i32
    %add3A_41 = arith.addi %mul3A_11, %add3A_40 : i32
    %dma_start3A_42 = tpu.memref_slice %arg4[%add3A_41] : memref<320000xi32, #tpu.memory_space<hbm>> -> memref<80xi32, #tpu.memory_space<hbm>>
    %dma_start3A_43 = tpu.memref_slice %arg4[%add3A_41] : memref<320000xi32, #tpu.memory_space<hbm>> -> memref<80xi32, #tpu.memory_space<hbm>>
    tpu.enqueue_dma source(%dma_start3A_43 : memref<80xi32, #tpu.memory_space<hbm>>) target(%arg19 : memref<80xi32, #tpu.memory_space<vmem>>) target_semaphore(%arg31 : memref<!tpu.dma_semaphore, #tpu.memory_space<semaphore_mem>>)
    %add3A_44 = arith.constant 0 : i32
    %add3A_45 = arith.addi %mul3A_11, %add3A_44 : i32
    %dma_wait3A = tpu.memref_slice %arg3[%add3A_45] : memref<320000xi32, #tpu.memory_space<hbm>> -> memref<80xi32, #tpu.memory_space<hbm>>
    %dma_wait3A_46 = tpu.memref_slice %arg3[%add3A_45] : memref<320000xi32, #tpu.memory_space<hbm>> -> memref<80xi32, #tpu.memory_space<hbm>>
    tpu.wait_dma2 semaphore(%arg28 : memref<!tpu.dma_semaphore, #tpu.memory_space<semaphore_mem>>) src(%dma_wait3A_46 : memref<80xi32, #tpu.memory_space<hbm>>) dst(%arg8 : memref<80xi32, #tpu.memory_space<vmem>>)
    %add3A_47 = arith.constant 0 : i32
    %add3A_48 = arith.addi %mul3A_11, %add3A_47 : i32
    %dma_wait3A_49 = tpu.memref_slice %arg4[%add3A_48] : memref<320000xi32, #tpu.memory_space<hbm>> -> memref<80xi32, #tpu.memory_space<hbm>>
    %dma_wait3A_50 = tpu.memref_slice %arg4[%add3A_48] : memref<320000xi32, #tpu.memory_space<hbm>> -> memref<80xi32, #tpu.memory_space<hbm>>
    tpu.wait_dma2 semaphore(%arg28 : memref<!tpu.dma_semaphore, #tpu.memory_space<semaphore_mem>>) src(%dma_wait3A_50 : memref<80xi32, #tpu.memory_space<hbm>>) dst(%arg16 : memref<80xi32, #tpu.memory_space<vmem>>)
    %dma_start3A_51 = arith.constant 0 : i32
    %dma_start3A_52 = arith.constant 0 : i32
    %dma_start3A_53 = tpu.memref_slice %arg2[%dma_start3A_51, %dma_start3A_52] : memref<10000x128xf32, #tpu.memory_space<hbm>> -> memref<10000x128xf32, #tpu.memory_space<hbm>>
    tpu.enqueue_indirect_dma source(%dma_start3A_53 : memref<10000x128xf32, #tpu.memory_space<hbm>>) target(%arg24 : memref<80x128xf32, #tpu.memory_space<vmem>>) offsets(%arg8 : memref<80xi32, #tpu.memory_space<vmem>>) semaphore(%arg36 : memref<!tpu.dma_semaphore, #tpu.memory_space<semaphore_mem>>)
    %add3A_54 = arith.constant 80 : i32
    %add3A_55 = arith.addi %mul3A_11, %add3A_54 : i32
    %dma_wait3A_56 = tpu.memref_slice %arg3[%add3A_55] : memref<320000xi32, #tpu.memory_space<hbm>> -> memref<80xi32, #tpu.memory_space<hbm>>
    %dma_wait3A_57 = tpu.memref_slice %arg3[%add3A_55] : memref<320000xi32, #tpu.memory_space<hbm>> -> memref<80xi32, #tpu.memory_space<hbm>>
    tpu.wait_dma2 semaphore(%arg29 : memref<!tpu.dma_semaphore, #tpu.memory_space<semaphore_mem>>) src(%dma_wait3A_57 : memref<80xi32, #tpu.memory_space<hbm>>) dst(%arg9 : memref<80xi32, #tpu.memory_space<vmem>>)
    %add3A_58 = arith.constant 80 : i32
    %add3A_59 = arith.addi %mul3A_11, %add3A_58 : i32
    %dma_wait3A_60 = tpu.memref_slice %arg4[%add3A_59] : memref<320000xi32, #tpu.memory_space<hbm>> -> memref<80xi32, #tpu.memory_space<hbm>>
    %dma_wait3A_61 = tpu.memref_slice %arg4[%add3A_59] : memref<320000xi32, #tpu.memory_space<hbm>> -> memref<80xi32, #tpu.memory_space<hbm>>
    tpu.wait_dma2 semaphore(%arg29 : memref<!tpu.dma_semaphore, #tpu.memory_space<semaphore_mem>>) src(%dma_wait3A_61 : memref<80xi32, #tpu.memory_space<hbm>>) dst(%arg17 : memref<80xi32, #tpu.memory_space<vmem>>)
    %dma_start3A_62 = arith.constant 0 : i32
    %dma_start3A_63 = arith.constant 0 : i32
    %dma_start3A_64 = tpu.memref_slice %arg2[%dma_start3A_62, %dma_start3A_63] : memref<10000x128xf32, #tpu.memory_space<hbm>> -> memref<10000x128xf32, #tpu.memory_space<hbm>>
    tpu.enqueue_indirect_dma source(%dma_start3A_64 : memref<10000x128xf32, #tpu.memory_space<hbm>>) target(%arg25 : memref<80x128xf32, #tpu.memory_space<vmem>>) offsets(%arg9 : memref<80xi32, #tpu.memory_space<vmem>>) semaphore(%arg37 : memref<!tpu.dma_semaphore, #tpu.memory_space<semaphore_mem>>)
    %add3A_65 = arith.constant 160 : i32
    %add3A_66 = arith.addi %mul3A_11, %add3A_65 : i32
    %dma_wait3A_67 = tpu.memref_slice %arg3[%add3A_66] : memref<320000xi32, #tpu.memory_space<hbm>> -> memref<80xi32, #tpu.memory_space<hbm>>
    %dma_wait3A_68 = tpu.memref_slice %arg3[%add3A_66] : memref<320000xi32, #tpu.memory_space<hbm>> -> memref<80xi32, #tpu.memory_space<hbm>>
    tpu.wait_dma2 semaphore(%arg30 : memref<!tpu.dma_semaphore, #tpu.memory_space<semaphore_mem>>) src(%dma_wait3A_68 : memref<80xi32, #tpu.memory_space<hbm>>) dst(%arg10 : memref<80xi32, #tpu.memory_space<vmem>>)
    %add3A_69 = arith.constant 160 : i32
    %add3A_70 = arith.addi %mul3A_11, %add3A_69 : i32
    %dma_wait3A_71 = tpu.memref_slice %arg4[%add3A_70] : memref<320000xi32, #tpu.memory_space<hbm>> -> memref<80xi32, #tpu.memory_space<hbm>>
    %dma_wait3A_72 = tpu.memref_slice %arg4[%add3A_70] : memref<320000xi32, #tpu.memory_space<hbm>> -> memref<80xi32, #tpu.memory_space<hbm>>
    tpu.wait_dma2 semaphore(%arg30 : memref<!tpu.dma_semaphore, #tpu.memory_space<semaphore_mem>>) src(%dma_wait3A_72 : memref<80xi32, #tpu.memory_space<hbm>>) dst(%arg18 : memref<80xi32, #tpu.memory_space<vmem>>)
    %dma_start3A_73 = arith.constant 0 : i32
    %dma_start3A_74 = arith.constant 0 : i32
    %dma_start3A_75 = tpu.memref_slice %arg2[%dma_start3A_73, %dma_start3A_74] : memref<10000x128xf32, #tpu.memory_space<hbm>> -> memref<10000x128xf32, #tpu.memory_space<hbm>>
    tpu.enqueue_indirect_dma source(%dma_start3A_75 : memref<10000x128xf32, #tpu.memory_space<hbm>>) target(%arg26 : memref<80x128xf32, #tpu.memory_space<vmem>>) offsets(%arg10 : memref<80xi32, #tpu.memory_space<vmem>>) semaphore(%arg38 : memref<!tpu.dma_semaphore, #tpu.memory_space<semaphore_mem>>)
    %mul3A_76 = arith.constant 624 : i32
    %mul3A_77 = arith.muli %arg1, %mul3A_76 : i32
    %mul3A_78 = arith.constant 624 : i32
    %mul3A_79 = arith.muli %arg1, %mul3A_78 : i32
    %dma_wait3A_80 = arith.constant 0 : i32
    %dma_wait3A_81 = tpu.memref_slice %arg7[%mul3A_79, %dma_wait3A_80] : memref<10000x128xf32, #tpu.memory_space<vmem_shared>> -> memref<624x128xf32, #tpu.memory_space<vmem_shared>>
    %dma_wait3A_82 = arith.constant 0 : i32
    %dma_wait3A_83 = tpu.memref_slice %arg5[%mul3A_77, %dma_wait3A_82] : memref<10000x128xf32, #tpu.memory_space<hbm>> -> memref<624x128xf32, #tpu.memory_space<hbm>>
    tpu.wait_dma2 semaphore(%arg44 : memref<!tpu.dma_semaphore, #tpu.memory_space<semaphore_mem>>) src(%dma_wait3A_83 : memref<624x128xf32, #tpu.memory_space<hbm>>) dst(%dma_wait3A_81 : memref<624x128xf32, #tpu.memory_space<vmem_shared>>)
    %eq3A_84 = arith.constant 0 : i32
    %eq3A_85 = arith.cmpi eq, %arg1, %eq3A_84 : i32
    %convert_element_type3A_86 = arith.extui %eq3A_85 : i1 to i32
    %cond3A_87 = arith.constant 0 : i32
    %cond3A_88 = arith.cmpi ne, %convert_element_type3A_86, %cond3A_87 : i32
    scf.if %cond3A_88 {
      %dma_wait3A_402 = arith.constant 9984 : i32
      %dma_wait3A_403 = arith.constant 0 : i32
      %dma_wait3A_404 = tpu.memref_slice %arg7[%dma_wait3A_402, %dma_wait3A_403] : memref<10000x128xf32, #tpu.memory_space<vmem_shared>> -> memref<16x128xf32, #tpu.memory_space<vmem_shared>>
      %dma_wait3A_405 = arith.constant 9984 : i32
      %dma_wait3A_406 = arith.constant 0 : i32
      %dma_wait3A_407 = tpu.memref_slice %arg5[%dma_wait3A_405, %dma_wait3A_406] : memref<10000x128xf32, #tpu.memory_space<hbm>> -> memref<16x128xf32, #tpu.memory_space<hbm>>
      tpu.wait_dma2 semaphore(%arg44 : memref<!tpu.dma_semaphore, #tpu.memory_space<semaphore_mem>>) src(%dma_wait3A_407 : memref<16x128xf32, #tpu.memory_space<hbm>>) dst(%dma_wait3A_404 : memref<16x128xf32, #tpu.memory_space<vmem_shared>>)
    } else {
    }
    %barrier3A = arith.constant 0 : index
    tpu.barrier barrier_id(%barrier3A)
    %dma_wait3A_89 = arith.constant 0 : i32
    %dma_wait3A_90 = arith.constant 0 : i32
    %dma_wait3A_91 = tpu.memref_slice %arg2[%dma_wait3A_89, %dma_wait3A_90] : memref<10000x128xf32, #tpu.memory_space<hbm>> -> memref<10000x128xf32, #tpu.memory_space<hbm>>
    tpu.wait_indirect_dma semaphore(%arg36 : memref<!tpu.dma_semaphore, #tpu.memory_space<semaphore_mem>>) src(%dma_wait3A_91 : memref<10000x128xf32, #tpu.memory_space<hbm>>) dst(%arg24 : memref<80x128xf32, #tpu.memory_space<vmem>>)
    %add3A_92 = arith.constant 240 : i32
    %add3A_93 = arith.addi %mul3A_11, %add3A_92 : i32
    %dma_wait3A_94 = tpu.memref_slice %arg3[%add3A_93] : memref<320000xi32, #tpu.memory_space<hbm>> -> memref<80xi32, #tpu.memory_space<hbm>>
    %dma_wait3A_95 = tpu.memref_slice %arg3[%add3A_93] : memref<320000xi32, #tpu.memory_space<hbm>> -> memref<80xi32, #tpu.memory_space<hbm>>
    tpu.wait_dma2 semaphore(%arg31 : memref<!tpu.dma_semaphore, #tpu.memory_space<semaphore_mem>>) src(%dma_wait3A_95 : memref<80xi32, #tpu.memory_space<hbm>>) dst(%arg11 : memref<80xi32, #tpu.memory_space<vmem>>)
    %add3A_96 = arith.constant 240 : i32
    %add3A_97 = arith.addi %mul3A_11, %add3A_96 : i32
    %dma_wait3A_98 = tpu.memref_slice %arg4[%add3A_97] : memref<320000xi32, #tpu.memory_space<hbm>> -> memref<80xi32, #tpu.memory_space<hbm>>
    %dma_wait3A_99 = tpu.memref_slice %arg4[%add3A_97] : memref<320000xi32, #tpu.memory_space<hbm>> -> memref<80xi32, #tpu.memory_space<hbm>>
    tpu.wait_dma2 semaphore(%arg31 : memref<!tpu.dma_semaphore, #tpu.memory_space<semaphore_mem>>) src(%dma_wait3A_99 : memref<80xi32, #tpu.memory_space<hbm>>) dst(%arg19 : memref<80xi32, #tpu.memory_space<vmem>>)
    %dma_start3A_100 = arith.constant 0 : i32
    %dma_start3A_101 = arith.constant 0 : i32
    %dma_start3A_102 = tpu.memref_slice %arg2[%dma_start3A_100, %dma_start3A_101] : memref<10000x128xf32, #tpu.memory_space<hbm>> -> memref<10000x128xf32, #tpu.memory_space<hbm>>
    tpu.enqueue_indirect_dma source(%dma_start3A_102 : memref<10000x128xf32, #tpu.memory_space<hbm>>) target(%arg27 : memref<80x128xf32, #tpu.memory_space<vmem>>) offsets(%arg11 : memref<80xi32, #tpu.memory_space<vmem>>) semaphore(%arg39 : memref<!tpu.dma_semaphore, #tpu.memory_space<semaphore_mem>>)
    %dma_start3A_103 = arith.constant 0 : i32
    %dma_start3A_104 = arith.constant 0 : i32
    %dma_start3A_105 = tpu.memref_slice %arg7[%dma_start3A_103, %dma_start3A_104] : memref<10000x128xf32, #tpu.memory_space<vmem_shared>> -> memref<10000x128xf32, #tpu.memory_space<vmem_shared>>
    tpu.enqueue_indirect_dma source(%arg24 : memref<80x128xf32, #tpu.memory_space<vmem>>) target(%dma_start3A_105 : memref<10000x128xf32, #tpu.memory_space<vmem_shared>>) offsets(%arg16 : memref<80xi32, #tpu.memory_space<vmem>>) semaphore(%arg40 : memref<!tpu.dma_semaphore, #tpu.memory_space<semaphore_mem>>) {add = true}
    %add3A_106 = arith.constant 320 : i32
    %add3A_107 = arith.addi %mul3A_11, %add3A_106 : i32
    %dma_start3A_108 = tpu.memref_slice %arg3[%add3A_107] : memref<320000xi32, #tpu.memory_space<hbm>> -> memref<80xi32, #tpu.memory_space<hbm>>
    %dma_start3A_109 = tpu.memref_slice %arg3[%add3A_107] : memref<320000xi32, #tpu.memory_space<hbm>> -> memref<80xi32, #tpu.memory_space<hbm>>
    tpu.enqueue_dma source(%dma_start3A_109 : memref<80xi32, #tpu.memory_space<hbm>>) target(%arg12 : memref<80xi32, #tpu.memory_space<vmem>>) target_semaphore(%arg32 : memref<!tpu.dma_semaphore, #tpu.memory_space<semaphore_mem>>)
    %add3A_110 = arith.constant 320 : i32
    %add3A_111 = arith.addi %mul3A_11, %add3A_110 : i32
    %dma_start3A_112 = tpu.memref_slice %arg4[%add3A_111] : memref<320000xi32, #tpu.memory_space<hbm>> -> memref<80xi32, #tpu.memory_space<hbm>>
    %dma_start3A_113 = tpu.memref_slice %arg4[%add3A_111] : memref<320000xi32, #tpu.memory_space<hbm>> -> memref<80xi32, #tpu.memory_space<hbm>>
    tpu.enqueue_dma source(%dma_start3A_113 : memref<80xi32, #tpu.memory_space<hbm>>) target(%arg20 : memref<80xi32, #tpu.memory_space<vmem>>) target_semaphore(%arg32 : memref<!tpu.dma_semaphore, #tpu.memory_space<semaphore_mem>>)
    %dma_wait3A_114 = arith.constant 0 : i32
    %dma_wait3A_115 = arith.constant 0 : i32
    %dma_wait3A_116 = tpu.memref_slice %arg2[%dma_wait3A_114, %dma_wait3A_115] : memref<10000x128xf32, #tpu.memory_space<hbm>> -> memref<10000x128xf32, #tpu.memory_space<hbm>>
    tpu.wait_indirect_dma semaphore(%arg37 : memref<!tpu.dma_semaphore, #tpu.memory_space<semaphore_mem>>) src(%dma_wait3A_116 : memref<10000x128xf32, #tpu.memory_space<hbm>>) dst(%arg25 : memref<80x128xf32, #tpu.memory_space<vmem>>)
    %dma_wait3A_117 = arith.constant 0 : i32
    %dma_wait3A_118 = arith.constant 0 : i32
    %dma_wait3A_119 = tpu.memref_slice %arg7[%dma_wait3A_117, %dma_wait3A_118] : memref<10000x128xf32, #tpu.memory_space<vmem_shared>> -> memref<10000x128xf32, #tpu.memory_space<vmem_shared>>
    tpu.wait_indirect_dma semaphore(%arg40 : memref<!tpu.dma_semaphore, #tpu.memory_space<semaphore_mem>>) src(%arg24 : memref<80x128xf32, #tpu.memory_space<vmem>>) dst(%dma_wait3A_119 : memref<10000x128xf32, #tpu.memory_space<vmem_shared>>)
    %add3A_120 = arith.constant 320 : i32
    %add3A_121 = arith.addi %mul3A_11, %add3A_120 : i32
    %dma_wait3A_122 = tpu.memref_slice %arg3[%add3A_121] : memref<320000xi32, #tpu.memory_space<hbm>> -> memref<80xi32, #tpu.memory_space<hbm>>
    %dma_wait3A_123 = tpu.memref_slice %arg3[%add3A_121] : memref<320000xi32, #tpu.memory_space<hbm>> -> memref<80xi32, #tpu.memory_space<hbm>>
    tpu.wait_dma2 semaphore(%arg32 : memref<!tpu.dma_semaphore, #tpu.memory_space<semaphore_mem>>) src(%dma_wait3A_123 : memref<80xi32, #tpu.memory_space<hbm>>) dst(%arg12 : memref<80xi32, #tpu.memory_space<vmem>>)
    %add3A_124 = arith.constant 320 : i32
    %add3A_125 = arith.addi %mul3A_11, %add3A_124 : i32
    %dma_wait3A_126 = tpu.memref_slice %arg4[%add3A_125] : memref<320000xi32, #tpu.memory_space<hbm>> -> memref<80xi32, #tpu.memory_space<hbm>>
    %dma_wait3A_127 = tpu.memref_slice %arg4[%add3A_125] : memref<320000xi32, #tpu.memory_space<hbm>> -> memref<80xi32, #tpu.memory_space<hbm>>
    tpu.wait_dma2 semaphore(%arg32 : memref<!tpu.dma_semaphore, #tpu.memory_space<semaphore_mem>>) src(%dma_wait3A_127 : memref<80xi32, #tpu.memory_space<hbm>>) dst(%arg20 : memref<80xi32, #tpu.memory_space<vmem>>)
    %dma_start3A_128 = arith.constant 0 : i32
    %dma_start3A_129 = arith.constant 0 : i32
    %dma_start3A_130 = tpu.memref_slice %arg2[%dma_start3A_128, %dma_start3A_129] : memref<10000x128xf32, #tpu.memory_space<hbm>> -> memref<10000x128xf32, #tpu.memory_space<hbm>>
    tpu.enqueue_indirect_dma source(%dma_start3A_130 : memref<10000x128xf32, #tpu.memory_space<hbm>>) target(%arg24 : memref<80x128xf32, #tpu.memory_space<vmem>>) offsets(%arg12 : memref<80xi32, #tpu.memory_space<vmem>>) semaphore(%arg36 : memref<!tpu.dma_semaphore, #tpu.memory_space<semaphore_mem>>)
    %dma_start3A_131 = arith.constant 0 : i32
    %dma_start3A_132 = arith.constant 0 : i32
    %dma_start3A_133 = tpu.memref_slice %arg7[%dma_start3A_131, %dma_start3A_132] : memref<10000x128xf32, #tpu.memory_space<vmem_shared>> -> memref<10000x128xf32, #tpu.memory_space<vmem_shared>>
    tpu.enqueue_indirect_dma source(%arg25 : memref<80x128xf32, #tpu.memory_space<vmem>>) target(%dma_start3A_133 : memref<10000x128xf32, #tpu.memory_space<vmem_shared>>) offsets(%arg17 : memref<80xi32, #tpu.memory_space<vmem>>) semaphore(%arg41 : memref<!tpu.dma_semaphore, #tpu.memory_space<semaphore_mem>>) {add = true}
    %add3A_134 = arith.constant 400 : i32
    %add3A_135 = arith.addi %mul3A_11, %add3A_134 : i32
    %dma_start3A_136 = tpu.memref_slice %arg3[%add3A_135] : memref<320000xi32, #tpu.memory_space<hbm>> -> memref<80xi32, #tpu.memory_space<hbm>>
    %dma_start3A_137 = tpu.memref_slice %arg3[%add3A_135] : memref<320000xi32, #tpu.memory_space<hbm>> -> memref<80xi32, #tpu.memory_space<hbm>>
    tpu.enqueue_dma source(%dma_start3A_137 : memref<80xi32, #tpu.memory_space<hbm>>) target(%arg13 : memref<80xi32, #tpu.memory_space<vmem>>) target_semaphore(%arg33 : memref<!tpu.dma_semaphore, #tpu.memory_space<semaphore_mem>>)
    %add3A_138 = arith.constant 400 : i32
    %add3A_139 = arith.addi %mul3A_11, %add3A_138 : i32
    %dma_start3A_140 = tpu.memref_slice %arg4[%add3A_139] : memref<320000xi32, #tpu.memory_space<hbm>> -> memref<80xi32, #tpu.memory_space<hbm>>
    %dma_start3A_141 = tpu.memref_slice %arg4[%add3A_139] : memref<320000xi32, #tpu.memory_space<hbm>> -> memref<80xi32, #tpu.memory_space<hbm>>
    tpu.enqueue_dma source(%dma_start3A_141 : memref<80xi32, #tpu.memory_space<hbm>>) target(%arg21 : memref<80xi32, #tpu.memory_space<vmem>>) target_semaphore(%arg33 : memref<!tpu.dma_semaphore, #tpu.memory_space<semaphore_mem>>)
    %dma_wait3A_142 = arith.constant 0 : i32
    %dma_wait3A_143 = arith.constant 0 : i32
    %dma_wait3A_144 = tpu.memref_slice %arg2[%dma_wait3A_142, %dma_wait3A_143] : memref<10000x128xf32, #tpu.memory_space<hbm>> -> memref<10000x128xf32, #tpu.memory_space<hbm>>
    tpu.wait_indirect_dma semaphore(%arg38 : memref<!tpu.dma_semaphore, #tpu.memory_space<semaphore_mem>>) src(%dma_wait3A_144 : memref<10000x128xf32, #tpu.memory_space<hbm>>) dst(%arg26 : memref<80x128xf32, #tpu.memory_space<vmem>>)
    %dma_wait3A_145 = arith.constant 0 : i32
    %dma_wait3A_146 = arith.constant 0 : i32
    %dma_wait3A_147 = tpu.memref_slice %arg7[%dma_wait3A_145, %dma_wait3A_146] : memref<10000x128xf32, #tpu.memory_space<vmem_shared>> -> memref<10000x128xf32, #tpu.memory_space<vmem_shared>>
    tpu.wait_indirect_dma semaphore(%arg41 : memref<!tpu.dma_semaphore, #tpu.memory_space<semaphore_mem>>) src(%arg25 : memref<80x128xf32, #tpu.memory_space<vmem>>) dst(%dma_wait3A_147 : memref<10000x128xf32, #tpu.memory_space<vmem_shared>>)
    %add3A_148 = arith.constant 400 : i32
    %add3A_149 = arith.addi %mul3A_11, %add3A_148 : i32
    %dma_wait3A_150 = tpu.memref_slice %arg3[%add3A_149] : memref<320000xi32, #tpu.memory_space<hbm>> -> memref<80xi32, #tpu.memory_space<hbm>>
    %dma_wait3A_151 = tpu.memref_slice %arg3[%add3A_149] : memref<320000xi32, #tpu.memory_space<hbm>> -> memref<80xi32, #tpu.memory_space<hbm>>
    tpu.wait_dma2 semaphore(%arg33 : memref<!tpu.dma_semaphore, #tpu.memory_space<semaphore_mem>>) src(%dma_wait3A_151 : memref<80xi32, #tpu.memory_space<hbm>>) dst(%arg13 : memref<80xi32, #tpu.memory_space<vmem>>)
    %add3A_152 = arith.constant 400 : i32
    %add3A_153 = arith.addi %mul3A_11, %add3A_152 : i32
    %dma_wait3A_154 = tpu.memref_slice %arg4[%add3A_153] : memref<320000xi32, #tpu.memory_space<hbm>> -> memref<80xi32, #tpu.memory_space<hbm>>
    %dma_wait3A_155 = tpu.memref_slice %arg4[%add3A_153] : memref<320000xi32, #tpu.memory_space<hbm>> -> memref<80xi32, #tpu.memory_space<hbm>>
    tpu.wait_dma2 semaphore(%arg33 : memref<!tpu.dma_semaphore, #tpu.memory_space<semaphore_mem>>) src(%dma_wait3A_155 : memref<80xi32, #tpu.memory_space<hbm>>) dst(%arg21 : memref<80xi32, #tpu.memory_space<vmem>>)
    %dma_start3A_156 = arith.constant 0 : i32
    %dma_start3A_157 = arith.constant 0 : i32
    %dma_start3A_158 = tpu.memref_slice %arg2[%dma_start3A_156, %dma_start3A_157] : memref<10000x128xf32, #tpu.memory_space<hbm>> -> memref<10000x128xf32, #tpu.memory_space<hbm>>
    tpu.enqueue_indirect_dma source(%dma_start3A_158 : memref<10000x128xf32, #tpu.memory_space<hbm>>) target(%arg25 : memref<80x128xf32, #tpu.memory_space<vmem>>) offsets(%arg13 : memref<80xi32, #tpu.memory_space<vmem>>) semaphore(%arg37 : memref<!tpu.dma_semaphore, #tpu.memory_space<semaphore_mem>>)
    %dma_start3A_159 = arith.constant 0 : i32
    %dma_start3A_160 = arith.constant 0 : i32
    %dma_start3A_161 = tpu.memref_slice %arg7[%dma_start3A_159, %dma_start3A_160] : memref<10000x128xf32, #tpu.memory_space<vmem_shared>> -> memref<10000x128xf32, #tpu.memory_space<vmem_shared>>
    tpu.enqueue_indirect_dma source(%arg26 : memref<80x128xf32, #tpu.memory_space<vmem>>) target(%dma_start3A_161 : memref<10000x128xf32, #tpu.memory_space<vmem_shared>>) offsets(%arg18 : memref<80xi32, #tpu.memory_space<vmem>>) semaphore(%arg42 : memref<!tpu.dma_semaphore, #tpu.memory_space<semaphore_mem>>) {add = true}
    %add3A_162 = arith.constant 480 : i32
    %add3A_163 = arith.addi %mul3A_11, %add3A_162 : i32
    %dma_start3A_164 = tpu.memref_slice %arg3[%add3A_163] : memref<320000xi32, #tpu.memory_space<hbm>> -> memref<80xi32, #tpu.memory_space<hbm>>
    %dma_start3A_165 = tpu.memref_slice %arg3[%add3A_163] : memref<320000xi32, #tpu.memory_space<hbm>> -> memref<80xi32, #tpu.memory_space<hbm>>
    tpu.enqueue_dma source(%dma_start3A_165 : memref<80xi32, #tpu.memory_space<hbm>>) target(%arg14 : memref<80xi32, #tpu.memory_space<vmem>>) target_semaphore(%arg34 : memref<!tpu.dma_semaphore, #tpu.memory_space<semaphore_mem>>)
    %add3A_166 = arith.constant 480 : i32
    %add3A_167 = arith.addi %mul3A_11, %add3A_166 : i32
    %dma_start3A_168 = tpu.memref_slice %arg4[%add3A_167] : memref<320000xi32, #tpu.memory_space<hbm>> -> memref<80xi32, #tpu.memory_space<hbm>>
    %dma_start3A_169 = tpu.memref_slice %arg4[%add3A_167] : memref<320000xi32, #tpu.memory_space<hbm>> -> memref<80xi32, #tpu.memory_space<hbm>>
    tpu.enqueue_dma source(%dma_start3A_169 : memref<80xi32, #tpu.memory_space<hbm>>) target(%arg22 : memref<80xi32, #tpu.memory_space<vmem>>) target_semaphore(%arg34 : memref<!tpu.dma_semaphore, #tpu.memory_space<semaphore_mem>>)
    %dma_wait3A_170 = arith.constant 0 : i32
    %dma_wait3A_171 = arith.constant 0 : i32
    %dma_wait3A_172 = tpu.memref_slice %arg2[%dma_wait3A_170, %dma_wait3A_171] : memref<10000x128xf32, #tpu.memory_space<hbm>> -> memref<10000x128xf32, #tpu.memory_space<hbm>>
    tpu.wait_indirect_dma semaphore(%arg39 : memref<!tpu.dma_semaphore, #tpu.memory_space<semaphore_mem>>) src(%dma_wait3A_172 : memref<10000x128xf32, #tpu.memory_space<hbm>>) dst(%arg27 : memref<80x128xf32, #tpu.memory_space<vmem>>)
    %dma_wait3A_173 = arith.constant 0 : i32
    %dma_wait3A_174 = arith.constant 0 : i32
    %dma_wait3A_175 = tpu.memref_slice %arg7[%dma_wait3A_173, %dma_wait3A_174] : memref<10000x128xf32, #tpu.memory_space<vmem_shared>> -> memref<10000x128xf32, #tpu.memory_space<vmem_shared>>
    tpu.wait_indirect_dma semaphore(%arg42 : memref<!tpu.dma_semaphore, #tpu.memory_space<semaphore_mem>>) src(%arg26 : memref<80x128xf32, #tpu.memory_space<vmem>>) dst(%dma_wait3A_175 : memref<10000x128xf32, #tpu.memory_space<vmem_shared>>)
    %add3A_176 = arith.constant 480 : i32
    %add3A_177 = arith.addi %mul3A_11, %add3A_176 : i32
    %dma_wait3A_178 = tpu.memref_slice %arg3[%add3A_177] : memref<320000xi32, #tpu.memory_space<hbm>> -> memref<80xi32, #tpu.memory_space<hbm>>
    %dma_wait3A_179 = tpu.memref_slice %arg3[%add3A_177] : memref<320000xi32, #tpu.memory_space<hbm>> -> memref<80xi32, #tpu.memory_space<hbm>>
    tpu.wait_dma2 semaphore(%arg34 : memref<!tpu.dma_semaphore, #tpu.memory_space<semaphore_mem>>) src(%dma_wait3A_179 : memref<80xi32, #tpu.memory_space<hbm>>) dst(%arg14 : memref<80xi32, #tpu.memory_space<vmem>>)
    %add3A_180 = arith.constant 480 : i32
    %add3A_181 = arith.addi %mul3A_11, %add3A_180 : i32
    %dma_wait3A_182 = tpu.memref_slice %arg4[%add3A_181] : memref<320000xi32, #tpu.memory_space<hbm>> -> memref<80xi32, #tpu.memory_space<hbm>>
    %dma_wait3A_183 = tpu.memref_slice %arg4[%add3A_181] : memref<320000xi32, #tpu.memory_space<hbm>> -> memref<80xi32, #tpu.memory_space<hbm>>
    tpu.wait_dma2 semaphore(%arg34 : memref<!tpu.dma_semaphore, #tpu.memory_space<semaphore_mem>>) src(%dma_wait3A_183 : memref<80xi32, #tpu.memory_space<hbm>>) dst(%arg22 : memref<80xi32, #tpu.memory_space<vmem>>)
    %dma_start3A_184 = arith.constant 0 : i32
    %dma_start3A_185 = arith.constant 0 : i32
    %dma_start3A_186 = tpu.memref_slice %arg2[%dma_start3A_184, %dma_start3A_185] : memref<10000x128xf32, #tpu.memory_space<hbm>> -> memref<10000x128xf32, #tpu.memory_space<hbm>>
    tpu.enqueue_indirect_dma source(%dma_start3A_186 : memref<10000x128xf32, #tpu.memory_space<hbm>>) target(%arg26 : memref<80x128xf32, #tpu.memory_space<vmem>>) offsets(%arg14 : memref<80xi32, #tpu.memory_space<vmem>>) semaphore(%arg38 : memref<!tpu.dma_semaphore, #tpu.memory_space<semaphore_mem>>)
    %dma_start3A_187 = arith.constant 0 : i32
    %dma_start3A_188 = arith.constant 0 : i32
    %dma_start3A_189 = tpu.memref_slice %arg7[%dma_start3A_187, %dma_start3A_188] : memref<10000x128xf32, #tpu.memory_space<vmem_shared>> -> memref<10000x128xf32, #tpu.memory_space<vmem_shared>>
    tpu.enqueue_indirect_dma source(%arg27 : memref<80x128xf32, #tpu.memory_space<vmem>>) target(%dma_start3A_189 : memref<10000x128xf32, #tpu.memory_space<vmem_shared>>) offsets(%arg19 : memref<80xi32, #tpu.memory_space<vmem>>) semaphore(%arg43 : memref<!tpu.dma_semaphore, #tpu.memory_space<semaphore_mem>>) {add = true}
    %add3A_190 = arith.constant 560 : i32
    %add3A_191 = arith.addi %mul3A_11, %add3A_190 : i32
    %dma_start3A_192 = tpu.memref_slice %arg3[%add3A_191] : memref<320000xi32, #tpu.memory_space<hbm>> -> memref<80xi32, #tpu.memory_space<hbm>>
    %dma_start3A_193 = tpu.memref_slice %arg3[%add3A_191] : memref<320000xi32, #tpu.memory_space<hbm>> -> memref<80xi32, #tpu.memory_space<hbm>>
    tpu.enqueue_dma source(%dma_start3A_193 : memref<80xi32, #tpu.memory_space<hbm>>) target(%arg15 : memref<80xi32, #tpu.memory_space<vmem>>) target_semaphore(%arg35 : memref<!tpu.dma_semaphore, #tpu.memory_space<semaphore_mem>>)
    %add3A_194 = arith.constant 560 : i32
    %add3A_195 = arith.addi %mul3A_11, %add3A_194 : i32
    %dma_start3A_196 = tpu.memref_slice %arg4[%add3A_195] : memref<320000xi32, #tpu.memory_space<hbm>> -> memref<80xi32, #tpu.memory_space<hbm>>
    %dma_start3A_197 = tpu.memref_slice %arg4[%add3A_195] : memref<320000xi32, #tpu.memory_space<hbm>> -> memref<80xi32, #tpu.memory_space<hbm>>
    tpu.enqueue_dma source(%dma_start3A_197 : memref<80xi32, #tpu.memory_space<hbm>>) target(%arg23 : memref<80xi32, #tpu.memory_space<vmem>>) target_semaphore(%arg35 : memref<!tpu.dma_semaphore, #tpu.memory_space<semaphore_mem>>)
    %dma_wait3A_198 = arith.constant 0 : i32
    %dma_wait3A_199 = arith.constant 0 : i32
    %dma_wait3A_200 = tpu.memref_slice %arg2[%dma_wait3A_198, %dma_wait3A_199] : memref<10000x128xf32, #tpu.memory_space<hbm>> -> memref<10000x128xf32, #tpu.memory_space<hbm>>
    tpu.wait_indirect_dma semaphore(%arg36 : memref<!tpu.dma_semaphore, #tpu.memory_space<semaphore_mem>>) src(%dma_wait3A_200 : memref<10000x128xf32, #tpu.memory_space<hbm>>) dst(%arg24 : memref<80x128xf32, #tpu.memory_space<vmem>>)
    %dma_wait3A_201 = arith.constant 0 : i32
    %dma_wait3A_202 = arith.constant 0 : i32
    %dma_wait3A_203 = tpu.memref_slice %arg7[%dma_wait3A_201, %dma_wait3A_202] : memref<10000x128xf32, #tpu.memory_space<vmem_shared>> -> memref<10000x128xf32, #tpu.memory_space<vmem_shared>>
    tpu.wait_indirect_dma semaphore(%arg43 : memref<!tpu.dma_semaphore, #tpu.memory_space<semaphore_mem>>) src(%arg27 : memref<80x128xf32, #tpu.memory_space<vmem>>) dst(%dma_wait3A_203 : memref<10000x128xf32, #tpu.memory_space<vmem_shared>>)
    %add3A_204 = arith.constant 560 : i32
    %add3A_205 = arith.addi %mul3A_11, %add3A_204 : i32
    %dma_wait3A_206 = tpu.memref_slice %arg3[%add3A_205] : memref<320000xi32, #tpu.memory_space<hbm>> -> memref<80xi32, #tpu.memory_space<hbm>>
    %dma_wait3A_207 = tpu.memref_slice %arg3[%add3A_205] : memref<320000xi32, #tpu.memory_space<hbm>> -> memref<80xi32, #tpu.memory_space<hbm>>
    tpu.wait_dma2 semaphore(%arg35 : memref<!tpu.dma_semaphore, #tpu.memory_space<semaphore_mem>>) src(%dma_wait3A_207 : memref<80xi32, #tpu.memory_space<hbm>>) dst(%arg15 : memref<80xi32, #tpu.memory_space<vmem>>)
    %add3A_208 = arith.constant 560 : i32
    %add3A_209 = arith.addi %mul3A_11, %add3A_208 : i32
    %dma_wait3A_210 = tpu.memref_slice %arg4[%add3A_209] : memref<320000xi32, #tpu.memory_space<hbm>> -> memref<80xi32, #tpu.memory_space<hbm>>
    %dma_wait3A_211 = tpu.memref_slice %arg4[%add3A_209] : memref<320000xi32, #tpu.memory_space<hbm>> -> memref<80xi32, #tpu.memory_space<hbm>>
    tpu.wait_dma2 semaphore(%arg35 : memref<!tpu.dma_semaphore, #tpu.memory_space<semaphore_mem>>) src(%dma_wait3A_211 : memref<80xi32, #tpu.memory_space<hbm>>) dst(%arg23 : memref<80xi32, #tpu.memory_space<vmem>>)
    %dma_start3A_212 = arith.constant 0 : i32
    %dma_start3A_213 = arith.constant 0 : i32
    %dma_start3A_214 = tpu.memref_slice %arg2[%dma_start3A_212, %dma_start3A_213] : memref<10000x128xf32, #tpu.memory_space<hbm>> -> memref<10000x128xf32, #tpu.memory_space<hbm>>
    tpu.enqueue_indirect_dma source(%dma_start3A_214 : memref<10000x128xf32, #tpu.memory_space<hbm>>) target(%arg27 : memref<80x128xf32, #tpu.memory_space<vmem>>) offsets(%arg15 : memref<80xi32, #tpu.memory_space<vmem>>) semaphore(%arg39 : memref<!tpu.dma_semaphore, #tpu.memory_space<semaphore_mem>>)
    %dma_start3A_215 = arith.constant 0 : i32
    %dma_start3A_216 = arith.constant 0 : i32
    %dma_start3A_217 = tpu.memref_slice %arg7[%dma_start3A_215, %dma_start3A_216] : memref<10000x128xf32, #tpu.memory_space<vmem_shared>> -> memref<10000x128xf32, #tpu.memory_space<vmem_shared>>
    tpu.enqueue_indirect_dma source(%arg24 : memref<80x128xf32, #tpu.memory_space<vmem>>) target(%dma_start3A_217 : memref<10000x128xf32, #tpu.memory_space<vmem_shared>>) offsets(%arg20 : memref<80xi32, #tpu.memory_space<vmem>>) semaphore(%arg40 : memref<!tpu.dma_semaphore, #tpu.memory_space<semaphore_mem>>) {add = true}
    %add3A_218 = arith.constant 640 : i32
    %add3A_219 = arith.addi %mul3A_11, %add3A_218 : i32
    %dma_start3A_220 = tpu.memref_slice %arg3[%add3A_219] : memref<320000xi32, #tpu.memory_space<hbm>> -> memref<80xi32, #tpu.memory_space<hbm>>
    %dma_start3A_221 = tpu.memref_slice %arg3[%add3A_219] : memref<320000xi32, #tpu.memory_space<hbm>> -> memref<80xi32, #tpu.memory_space<hbm>>
    tpu.enqueue_dma source(%dma_start3A_221 : memref<80xi32, #tpu.memory_space<hbm>>) target(%arg8 : memref<80xi32, #tpu.memory_space<vmem>>) target_semaphore(%arg28 : memref<!tpu.dma_semaphore, #tpu.memory_space<semaphore_mem>>)
    %add3A_222 = arith.constant 640 : i32
    %add3A_223 = arith.addi %mul3A_11, %add3A_222 : i32
    %dma_start3A_224 = tpu.memref_slice %arg4[%add3A_223] : memref<320000xi32, #tpu.memory_space<hbm>> -> memref<80xi32, #tpu.memory_space<hbm>>
    %dma_start3A_225 = tpu.memref_slice %arg4[%add3A_223] : memref<320000xi32, #tpu.memory_space<hbm>> -> memref<80xi32, #tpu.memory_space<hbm>>
    tpu.enqueue_dma source(%dma_start3A_225 : memref<80xi32, #tpu.memory_space<hbm>>) target(%arg16 : memref<80xi32, #tpu.memory_space<vmem>>) target_semaphore(%arg28 : memref<!tpu.dma_semaphore, #tpu.memory_space<semaphore_mem>>)
    %dma_wait3A_226 = arith.constant 0 : i32
    %dma_wait3A_227 = arith.constant 0 : i32
    %dma_wait3A_228 = tpu.memref_slice %arg2[%dma_wait3A_226, %dma_wait3A_227] : memref<10000x128xf32, #tpu.memory_space<hbm>> -> memref<10000x128xf32, #tpu.memory_space<hbm>>
    tpu.wait_indirect_dma semaphore(%arg37 : memref<!tpu.dma_semaphore, #tpu.memory_space<semaphore_mem>>) src(%dma_wait3A_228 : memref<10000x128xf32, #tpu.memory_space<hbm>>) dst(%arg25 : memref<80x128xf32, #tpu.memory_space<vmem>>)
    %dma_wait3A_229 = arith.constant 0 : i32
    %dma_wait3A_230 = arith.constant 0 : i32
    %dma_wait3A_231 = tpu.memref_slice %arg7[%dma_wait3A_229, %dma_wait3A_230] : memref<10000x128xf32, #tpu.memory_space<vmem_shared>> -> memref<10000x128xf32, #tpu.memory_space<vmem_shared>>
    tpu.wait_indirect_dma semaphore(%arg40 : memref<!tpu.dma_semaphore, #tpu.memory_space<semaphore_mem>>) src(%arg24 : memref<80x128xf32, #tpu.memory_space<vmem>>) dst(%dma_wait3A_231 : memref<10000x128xf32, #tpu.memory_space<vmem_shared>>)
    %add3A_232 = arith.constant 640 : i32
    %add3A_233 = arith.addi %mul3A_11, %add3A_232 : i32
    %dma_wait3A_234 = tpu.memref_slice %arg3[%add3A_233] : memref<320000xi32, #tpu.memory_space<hbm>> -> memref<80xi32, #tpu.memory_space<hbm>>
    %dma_wait3A_235 = tpu.memref_slice %arg3[%add3A_233] : memref<320000xi32, #tpu.memory_space<hbm>> -> memref<80xi32, #tpu.memory_space<hbm>>
    tpu.wait_dma2 semaphore(%arg28 : memref<!tpu.dma_semaphore, #tpu.memory_space<semaphore_mem>>) src(%dma_wait3A_235 : memref<80xi32, #tpu.memory_space<hbm>>) dst(%arg8 : memref<80xi32, #tpu.memory_space<vmem>>)
    %add3A_236 = arith.constant 640 : i32
    %add3A_237 = arith.addi %mul3A_11, %add3A_236 : i32
    %dma_wait3A_238 = tpu.memref_slice %arg4[%add3A_237] : memref<320000xi32, #tpu.memory_space<hbm>> -> memref<80xi32, #tpu.memory_space<hbm>>
    %dma_wait3A_239 = tpu.memref_slice %arg4[%add3A_237] : memref<320000xi32, #tpu.memory_space<hbm>> -> memref<80xi32, #tpu.memory_space<hbm>>
    tpu.wait_dma2 semaphore(%arg28 : memref<!tpu.dma_semaphore, #tpu.memory_space<semaphore_mem>>) src(%dma_wait3A_239 : memref<80xi32, #tpu.memory_space<hbm>>) dst(%arg16 : memref<80xi32, #tpu.memory_space<vmem>>)
    %dma_start3A_240 = arith.constant 0 : i32
    %dma_start3A_241 = arith.constant 0 : i32
    %dma_start3A_242 = tpu.memref_slice %arg2[%dma_start3A_240, %dma_start3A_241] : memref<10000x128xf32, #tpu.memory_space<hbm>> -> memref<10000x128xf32, #tpu.memory_space<hbm>>
    tpu.enqueue_indirect_dma source(%dma_start3A_242 : memref<10000x128xf32, #tpu.memory_space<hbm>>) target(%arg24 : memref<80x128xf32, #tpu.memory_space<vmem>>) offsets(%arg8 : memref<80xi32, #tpu.memory_space<vmem>>) semaphore(%arg36 : memref<!tpu.dma_semaphore, #tpu.memory_space<semaphore_mem>>)
    %dma_start3A_243 = arith.constant 0 : i32
    %dma_start3A_244 = arith.constant 0 : i32
    %dma_start3A_245 = tpu.memref_slice %arg7[%dma_start3A_243, %dma_start3A_244] : memref<10000x128xf32, #tpu.memory_space<vmem_shared>> -> memref<10000x128xf32, #tpu.memory_space<vmem_shared>>
    tpu.enqueue_indirect_dma source(%arg25 : memref<80x128xf32, #tpu.memory_space<vmem>>) target(%dma_start3A_245 : memref<10000x128xf32, #tpu.memory_space<vmem_shared>>) offsets(%arg21 : memref<80xi32, #tpu.memory_space<vmem>>) semaphore(%arg41 : memref<!tpu.dma_semaphore, #tpu.memory_space<semaphore_mem>>) {add = true}
    %add3A_246 = arith.constant 720 : i32
    %add3A_247 = arith.addi %mul3A_11, %add3A_246 : i32
    %dma_start3A_248 = tpu.memref_slice %arg3[%add3A_247] : memref<320000xi32, #tpu.memory_space<hbm>> -> memref<80xi32, #tpu.memory_space<hbm>>
    %dma_start3A_249 = tpu.memref_slice %arg3[%add3A_247] : memref<320000xi32, #tpu.memory_space<hbm>> -> memref<80xi32, #tpu.memory_space<hbm>>
    tpu.enqueue_dma source(%dma_start3A_249 : memref<80xi32, #tpu.memory_space<hbm>>) target(%arg9 : memref<80xi32, #tpu.memory_space<vmem>>) target_semaphore(%arg29 : memref<!tpu.dma_semaphore, #tpu.memory_space<semaphore_mem>>)
    %add3A_250 = arith.constant 720 : i32
    %add3A_251 = arith.addi %mul3A_11, %add3A_250 : i32
    %dma_start3A_252 = tpu.memref_slice %arg4[%add3A_251] : memref<320000xi32, #tpu.memory_space<hbm>> -> memref<80xi32, #tpu.memory_space<hbm>>
    %dma_start3A_253 = tpu.memref_slice %arg4[%add3A_251] : memref<320000xi32, #tpu.memory_space<hbm>> -> memref<80xi32, #tpu.memory_space<hbm>>
    tpu.enqueue_dma source(%dma_start3A_253 : memref<80xi32, #tpu.memory_space<hbm>>) target(%arg17 : memref<80xi32, #tpu.memory_space<vmem>>) target_semaphore(%arg29 : memref<!tpu.dma_semaphore, #tpu.memory_space<semaphore_mem>>)
    %dma_wait3A_254 = arith.constant 0 : i32
    %dma_wait3A_255 = arith.constant 0 : i32
    %dma_wait3A_256 = tpu.memref_slice %arg2[%dma_wait3A_254, %dma_wait3A_255] : memref<10000x128xf32, #tpu.memory_space<hbm>> -> memref<10000x128xf32, #tpu.memory_space<hbm>>
    tpu.wait_indirect_dma semaphore(%arg38 : memref<!tpu.dma_semaphore, #tpu.memory_space<semaphore_mem>>) src(%dma_wait3A_256 : memref<10000x128xf32, #tpu.memory_space<hbm>>) dst(%arg26 : memref<80x128xf32, #tpu.memory_space<vmem>>)
    %dma_wait3A_257 = arith.constant 0 : i32
    %dma_wait3A_258 = arith.constant 0 : i32
    %dma_wait3A_259 = tpu.memref_slice %arg7[%dma_wait3A_257, %dma_wait3A_258] : memref<10000x128xf32, #tpu.memory_space<vmem_shared>> -> memref<10000x128xf32, #tpu.memory_space<vmem_shared>>
    tpu.wait_indirect_dma semaphore(%arg41 : memref<!tpu.dma_semaphore, #tpu.memory_space<semaphore_mem>>) src(%arg25 : memref<80x128xf32, #tpu.memory_space<vmem>>) dst(%dma_wait3A_259 : memref<10000x128xf32, #tpu.memory_space<vmem_shared>>)
    %add3A_260 = arith.constant 720 : i32
    %add3A_261 = arith.addi %mul3A_11, %add3A_260 : i32
    %dma_wait3A_262 = tpu.memref_slice %arg3[%add3A_261] : memref<320000xi32, #tpu.memory_space<hbm>> -> memref<80xi32, #tpu.memory_space<hbm>>
    %dma_wait3A_263 = tpu.memref_slice %arg3[%add3A_261] : memref<320000xi32, #tpu.memory_space<hbm>> -> memref<80xi32, #tpu.memory_space<hbm>>
    tpu.wait_dma2 semaphore(%arg29 : memref<!tpu.dma_semaphore, #tpu.memory_space<semaphore_mem>>) src(%dma_wait3A_263 : memref<80xi32, #tpu.memory_space<hbm>>) dst(%arg9 : memref<80xi32, #tpu.memory_space<vmem>>)
    %add3A_264 = arith.constant 720 : i32
    %add3A_265 = arith.addi %mul3A_11, %add3A_264 : i32
    %dma_wait3A_266 = tpu.memref_slice %arg4[%add3A_265] : memref<320000xi32, #tpu.memory_space<hbm>> -> memref<80xi32, #tpu.memory_space<hbm>>
    %dma_wait3A_267 = tpu.memref_slice %arg4[%add3A_265] : memref<320000xi32, #tpu.memory_space<hbm>> -> memref<80xi32, #tpu.memory_space<hbm>>
    tpu.wait_dma2 semaphore(%arg29 : memref<!tpu.dma_semaphore, #tpu.memory_space<semaphore_mem>>) src(%dma_wait3A_267 : memref<80xi32, #tpu.memory_space<hbm>>) dst(%arg17 : memref<80xi32, #tpu.memory_space<vmem>>)
    %dma_start3A_268 = arith.constant 0 : i32
    %dma_start3A_269 = arith.constant 0 : i32
    %dma_start3A_270 = tpu.memref_slice %arg2[%dma_start3A_268, %dma_start3A_269] : memref<10000x128xf32, #tpu.memory_space<hbm>> -> memref<10000x128xf32, #tpu.memory_space<hbm>>
    tpu.enqueue_indirect_dma source(%dma_start3A_270 : memref<10000x128xf32, #tpu.memory_space<hbm>>) target(%arg25 : memref<80x128xf32, #tpu.memory_space<vmem>>) offsets(%arg9 : memref<80xi32, #tpu.memory_space<vmem>>) semaphore(%arg37 : memref<!tpu.dma_semaphore, #tpu.memory_space<semaphore_mem>>)
    %dma_start3A_271 = arith.constant 0 : i32
    %dma_start3A_272 = arith.constant 0 : i32
    %dma_start3A_273 = tpu.memref_slice %arg7[%dma_start3A_271, %dma_start3A_272] : memref<10000x128xf32, #tpu.memory_space<vmem_shared>> -> memref<10000x128xf32, #tpu.memory_space<vmem_shared>>
    tpu.enqueue_indirect_dma source(%arg26 : memref<80x128xf32, #tpu.memory_space<vmem>>) target(%dma_start3A_273 : memref<10000x128xf32, #tpu.memory_space<vmem_shared>>) offsets(%arg22 : memref<80xi32, #tpu.memory_space<vmem>>) semaphore(%arg42 : memref<!tpu.dma_semaphore, #tpu.memory_space<semaphore_mem>>) {add = true}
    %add3A_274 = arith.constant 800 : i32
    %add3A_275 = arith.addi %mul3A_11, %add3A_274 : i32
    %dma_start3A_276 = tpu.memref_slice %arg3[%add3A_275] : memref<320000xi32, #tpu.memory_space<hbm>> -> memref<80xi32, #tpu.memory_space<hbm>>
    %dma_start3A_277 = tpu.memref_slice %arg3[%add3A_275] : memref<320000xi32, #tpu.memory_space<hbm>> -> memref<80xi32, #tpu.memory_space<hbm>>
    tpu.enqueue_dma source(%dma_start3A_277 : memref<80xi32, #tpu.memory_space<hbm>>) target(%arg10 : memref<80xi32, #tpu.memory_space<vmem>>) target_semaphore(%arg30 : memref<!tpu.dma_semaphore, #tpu.memory_space<semaphore_mem>>)
    %add3A_278 = arith.constant 800 : i32
    %add3A_279 = arith.addi %mul3A_11, %add3A_278 : i32
    %dma_start3A_280 = tpu.memref_slice %arg4[%add3A_279] : memref<320000xi32, #tpu.memory_space<hbm>> -> memref<80xi32, #tpu.memory_space<hbm>>
    %dma_start3A_281 = tpu.memref_slice %arg4[%add3A_279] : memref<320000xi32, #tpu.memory_space<hbm>> -> memref<80xi32, #tpu.memory_space<hbm>>
    tpu.enqueue_dma source(%dma_start3A_281 : memref<80xi32, #tpu.memory_space<hbm>>) target(%arg18 : memref<80xi32, #tpu.memory_space<vmem>>) target_semaphore(%arg30 : memref<!tpu.dma_semaphore, #tpu.memory_space<semaphore_mem>>)
    %dma_wait3A_282 = arith.constant 0 : i32
    %dma_wait3A_283 = arith.constant 0 : i32
    %dma_wait3A_284 = tpu.memref_slice %arg2[%dma_wait3A_282, %dma_wait3A_283] : memref<10000x128xf32, #tpu.memory_space<hbm>> -> memref<10000x128xf32, #tpu.memory_space<hbm>>
    tpu.wait_indirect_dma semaphore(%arg39 : memref<!tpu.dma_semaphore, #tpu.memory_space<semaphore_mem>>) src(%dma_wait3A_284 : memref<10000x128xf32, #tpu.memory_space<hbm>>) dst(%arg27 : memref<80x128xf32, #tpu.memory_space<vmem>>)
    %dma_wait3A_285 = arith.constant 0 : i32
    %dma_wait3A_286 = arith.constant 0 : i32
    %dma_wait3A_287 = tpu.memref_slice %arg7[%dma_wait3A_285, %dma_wait3A_286] : memref<10000x128xf32, #tpu.memory_space<vmem_shared>> -> memref<10000x128xf32, #tpu.memory_space<vmem_shared>>
    tpu.wait_indirect_dma semaphore(%arg42 : memref<!tpu.dma_semaphore, #tpu.memory_space<semaphore_mem>>) src(%arg26 : memref<80x128xf32, #tpu.memory_space<vmem>>) dst(%dma_wait3A_287 : memref<10000x128xf32, #tpu.memory_space<vmem_shared>>)
    %add3A_288 = arith.constant 800 : i32
    %add3A_289 = arith.addi %mul3A_11, %add3A_288 : i32
    %dma_wait3A_290 = tpu.memref_slice %arg3[%add3A_289] : memref<320000xi32, #tpu.memory_space<hbm>> -> memref<80xi32, #tpu.memory_space<hbm>>
    %dma_wait3A_291 = tpu.memref_slice %arg3[%add3A_289] : memref<320000xi32, #tpu.memory_space<hbm>> -> memref<80xi32, #tpu.memory_space<hbm>>
    tpu.wait_dma2 semaphore(%arg30 : memref<!tpu.dma_semaphore, #tpu.memory_space<semaphore_mem>>) src(%dma_wait3A_291 : memref<80xi32, #tpu.memory_space<hbm>>) dst(%arg10 : memref<80xi32, #tpu.memory_space<vmem>>)
    %add3A_292 = arith.constant 800 : i32
    %add3A_293 = arith.addi %mul3A_11, %add3A_292 : i32
    %dma_wait3A_294 = tpu.memref_slice %arg4[%add3A_293] : memref<320000xi32, #tpu.memory_space<hbm>> -> memref<80xi32, #tpu.memory_space<hbm>>
    %dma_wait3A_295 = tpu.memref_slice %arg4[%add3A_293] : memref<320000xi32, #tpu.memory_space<hbm>> -> memref<80xi32, #tpu.memory_space<hbm>>
    tpu.wait_dma2 semaphore(%arg30 : memref<!tpu.dma_semaphore, #tpu.memory_space<semaphore_mem>>) src(%dma_wait3A_295 : memref<80xi32, #tpu.memory_space<hbm>>) dst(%arg18 : memref<80xi32, #tpu.memory_space<vmem>>)
    %dma_start3A_296 = arith.constant 0 : i32
    %dma_start3A_297 = arith.constant 0 : i32
    %dma_start3A_298 = tpu.memref_slice %arg2[%dma_start3A_296, %dma_start3A_297] : memref<10000x128xf32, #tpu.memory_space<hbm>> -> memref<10000x128xf32, #tpu.memory_space<hbm>>
    tpu.enqueue_indirect_dma source(%dma_start3A_298 : memref<10000x128xf32, #tpu.memory_space<hbm>>) target(%arg26 : memref<80x128xf32, #tpu.memory_space<vmem>>) offsets(%arg10 : memref<80xi32, #tpu.memory_space<vmem>>) semaphore(%arg38 : memref<!tpu.dma_semaphore, #tpu.memory_space<semaphore_mem>>)
    %dma_start3A_299 = arith.constant 0 : i32
    %dma_start3A_300 = arith.constant 0 : i32
    %dma_start3A_301 = tpu.memref_slice %arg7[%dma_start3A_299, %dma_start3A_300] : memref<10000x128xf32, #tpu.memory_space<vmem_shared>> -> memref<10000x128xf32, #tpu.memory_space<vmem_shared>>
    tpu.enqueue_indirect_dma source(%arg27 : memref<80x128xf32, #tpu.memory_space<vmem>>) target(%dma_start3A_301 : memref<10000x128xf32, #tpu.memory_space<vmem_shared>>) offsets(%arg23 : memref<80xi32, #tpu.memory_space<vmem>>) semaphore(%arg43 : memref<!tpu.dma_semaphore, #tpu.memory_space<semaphore_mem>>) {add = true}
    %add3A_302 = arith.constant 880 : i32
    %add3A_303 = arith.addi %mul3A_11, %add3A_302 : i32
    %dma_start3A_304 = tpu.memref_slice %arg3[%add3A_303] : memref<320000xi32, #tpu.memory_space<hbm>> -> memref<80xi32, #tpu.memory_space<hbm>>
    %dma_start3A_305 = tpu.memref_slice %arg3[%add3A_303] : memref<320000xi32, #tpu.memory_space<hbm>> -> memref<80xi32, #tpu.memory_space<hbm>>
    tpu.enqueue_dma source(%dma_start3A_305 : memref<80xi32, #tpu.memory_space<hbm>>) target(%arg11 : memref<80xi32, #tpu.memory_space<vmem>>) target_semaphore(%arg31 : memref<!tpu.dma_semaphore, #tpu.memory_space<semaphore_mem>>)
    %add3A_306 = arith.constant 880 : i32
    %add3A_307 = arith.addi %mul3A_11, %add3A_306 : i32
    %dma_start3A_308 = tpu.memref_slice %arg4[%add3A_307] : memref<320000xi32, #tpu.memory_space<hbm>> -> memref<80xi32, #tpu.memory_space<hbm>>
    %dma_start3A_309 = tpu.memref_slice %arg4[%add3A_307] : memref<320000xi32, #tpu.memory_space<hbm>> -> memref<80xi32, #tpu.memory_space<hbm>>
    tpu.enqueue_dma source(%dma_start3A_309 : memref<80xi32, #tpu.memory_space<hbm>>) target(%arg19 : memref<80xi32, #tpu.memory_space<vmem>>) target_semaphore(%arg31 : memref<!tpu.dma_semaphore, #tpu.memory_space<semaphore_mem>>)
    %scan3A = arith.constant 0 : i32
    %scan3A_310 = arith.constant 14 : i32
    %scan3A_311 = arith.addi %scan3A, %scan3A_310 : i32
    %scan3A_312 = arith.constant 1 : i32
    scf.for %scan3A_402 = %scan3A to %scan3A_311 step %scan3A_312  : i32 {
      %mul3A_403 = arith.constant 8 : i32
      %mul3A_404 = arith.muli %scan3A_402, %mul3A_403 : i32
      %add3A_405 = arith.constant 8 : i32
      %add3A_406 = arith.addi %add3A_405, %mul3A_404 : i32
      %add3A_407 = arith.constant 0 : i32
      %add3A_408 = arith.addi %add3A_406, %add3A_407 : i32
      %dma_wait3A_409 = arith.constant 0 : i32
      %dma_wait3A_410 = arith.constant 0 : i32
      %dma_wait3A_411 = tpu.memref_slice %arg2[%dma_wait3A_409, %dma_wait3A_410] : memref<10000x128xf32, #tpu.memory_space<hbm>> -> memref<10000x128xf32, #tpu.memory_space<hbm>>
      tpu.wait_indirect_dma semaphore(%arg36 : memref<!tpu.dma_semaphore, #tpu.memory_space<semaphore_mem>>) src(%dma_wait3A_411 : memref<10000x128xf32, #tpu.memory_space<hbm>>) dst(%arg24 : memref<80x128xf32, #tpu.memory_space<vmem>>)
      %dma_wait3A_412 = arith.constant 0 : i32
      %dma_wait3A_413 = arith.constant 0 : i32
      %dma_wait3A_414 = tpu.memref_slice %arg7[%dma_wait3A_412, %dma_wait3A_413] : memref<10000x128xf32, #tpu.memory_space<vmem_shared>> -> memref<10000x128xf32, #tpu.memory_space<vmem_shared>>
      tpu.wait_indirect_dma semaphore(%arg43 : memref<!tpu.dma_semaphore, #tpu.memory_space<semaphore_mem>>) src(%arg27 : memref<80x128xf32, #tpu.memory_space<vmem>>) dst(%dma_wait3A_414 : memref<10000x128xf32, #tpu.memory_space<vmem_shared>>)
      %add3A_415 = arith.constant 3 : i32
      %add3A_416 = arith.addi %add3A_408, %add3A_415 : i32
      %mul3A_417 = arith.constant 80 : i32
      %mul3A_418 = arith.muli %add3A_416, %mul3A_417 : i32
      %add3A_419 = arith.addi %mul3A_11, %mul3A_418 : i32
      %dma_wait3A_420 = tpu.memref_slice %arg3[%add3A_419] : memref<320000xi32, #tpu.memory_space<hbm>> -> memref<80xi32, #tpu.memory_space<hbm>>
      %dma_wait3A_421 = tpu.memref_slice %arg3[%add3A_419] : memref<320000xi32, #tpu.memory_space<hbm>> -> memref<80xi32, #tpu.memory_space<hbm>>
      tpu.wait_dma2 semaphore(%arg31 : memref<!tpu.dma_semaphore, #tpu.memory_space<semaphore_mem>>) src(%dma_wait3A_421 : memref<80xi32, #tpu.memory_space<hbm>>) dst(%arg11 : memref<80xi32, #tpu.memory_space<vmem>>)
      %mul3A_422 = arith.constant 80 : i32
      %mul3A_423 = arith.muli %add3A_416, %mul3A_422 : i32
      %add3A_424 = arith.addi %mul3A_11, %mul3A_423 : i32
      %dma_wait3A_425 = tpu.memref_slice %arg4[%add3A_424] : memref<320000xi32, #tpu.memory_space<hbm>> -> memref<80xi32, #tpu.memory_space<hbm>>
      %dma_wait3A_426 = tpu.memref_slice %arg4[%add3A_424] : memref<320000xi32, #tpu.memory_space<hbm>> -> memref<80xi32, #tpu.memory_space<hbm>>
      tpu.wait_dma2 semaphore(%arg31 : memref<!tpu.dma_semaphore, #tpu.memory_space<semaphore_mem>>) src(%dma_wait3A_426 : memref<80xi32, #tpu.memory_space<hbm>>) dst(%arg19 : memref<80xi32, #tpu.memory_space<vmem>>)
      %dma_start3A_427 = arith.constant 0 : i32
      %dma_start3A_428 = arith.constant 0 : i32
      %dma_start3A_429 = tpu.memref_slice %arg2[%dma_start3A_427, %dma_start3A_428] : memref<10000x128xf32, #tpu.memory_space<hbm>> -> memref<10000x128xf32, #tpu.memory_space<hbm>>
      tpu.enqueue_indirect_dma source(%dma_start3A_429 : memref<10000x128xf32, #tpu.memory_space<hbm>>) target(%arg27 : memref<80x128xf32, #tpu.memory_space<vmem>>) offsets(%arg11 : memref<80xi32, #tpu.memory_space<vmem>>) semaphore(%arg39 : memref<!tpu.dma_semaphore, #tpu.memory_space<semaphore_mem>>)
      %dma_start3A_430 = arith.constant 0 : i32
      %dma_start3A_431 = arith.constant 0 : i32
      %dma_start3A_432 = tpu.memref_slice %arg7[%dma_start3A_430, %dma_start3A_431] : memref<10000x128xf32, #tpu.memory_space<vmem_shared>> -> memref<10000x128xf32, #tpu.memory_space<vmem_shared>>
      tpu.enqueue_indirect_dma source(%arg24 : memref<80x128xf32, #tpu.memory_space<vmem>>) target(%dma_start3A_432 : memref<10000x128xf32, #tpu.memory_space<vmem_shared>>) offsets(%arg16 : memref<80xi32, #tpu.memory_space<vmem>>) semaphore(%arg40 : memref<!tpu.dma_semaphore, #tpu.memory_space<semaphore_mem>>) {add = true}
      %add3A_433 = arith.constant 4 : i32
      %add3A_434 = arith.addi %add3A_408, %add3A_433 : i32
      %mul3A_435 = arith.constant 80 : i32
      %mul3A_436 = arith.muli %add3A_434, %mul3A_435 : i32
      %add3A_437 = arith.addi %mul3A_11, %mul3A_436 : i32
      %dma_start3A_438 = tpu.memref_slice %arg3[%add3A_437] : memref<320000xi32, #tpu.memory_space<hbm>> -> memref<80xi32, #tpu.memory_space<hbm>>
      %dma_start3A_439 = tpu.memref_slice %arg3[%add3A_437] : memref<320000xi32, #tpu.memory_space<hbm>> -> memref<80xi32, #tpu.memory_space<hbm>>
      tpu.enqueue_dma source(%dma_start3A_439 : memref<80xi32, #tpu.memory_space<hbm>>) target(%arg12 : memref<80xi32, #tpu.memory_space<vmem>>) target_semaphore(%arg32 : memref<!tpu.dma_semaphore, #tpu.memory_space<semaphore_mem>>)
      %mul3A_440 = arith.constant 80 : i32
      %mul3A_441 = arith.muli %add3A_434, %mul3A_440 : i32
      %add3A_442 = arith.addi %mul3A_11, %mul3A_441 : i32
      %dma_start3A_443 = tpu.memref_slice %arg4[%add3A_442] : memref<320000xi32, #tpu.memory_space<hbm>> -> memref<80xi32, #tpu.memory_space<hbm>>
      %dma_start3A_444 = tpu.memref_slice %arg4[%add3A_442] : memref<320000xi32, #tpu.memory_space<hbm>> -> memref<80xi32, #tpu.memory_space<hbm>>
      tpu.enqueue_dma source(%dma_start3A_444 : memref<80xi32, #tpu.memory_space<hbm>>) target(%arg20 : memref<80xi32, #tpu.memory_space<vmem>>) target_semaphore(%arg32 : memref<!tpu.dma_semaphore, #tpu.memory_space<semaphore_mem>>)
      %add3A_445 = arith.constant 1 : i32
      %add3A_446 = arith.addi %add3A_406, %add3A_445 : i32
      %dma_wait3A_447 = arith.constant 0 : i32
      %dma_wait3A_448 = arith.constant 0 : i32
      %dma_wait3A_449 = tpu.memref_slice %arg2[%dma_wait3A_447, %dma_wait3A_448] : memref<10000x128xf32, #tpu.memory_space<hbm>> -> memref<10000x128xf32, #tpu.memory_space<hbm>>
      tpu.wait_indirect_dma semaphore(%arg37 : memref<!tpu.dma_semaphore, #tpu.memory_space<semaphore_mem>>) src(%dma_wait3A_449 : memref<10000x128xf32, #tpu.memory_space<hbm>>) dst(%arg25 : memref<80x128xf32, #tpu.memory_space<vmem>>)
      %dma_wait3A_450 = arith.constant 0 : i32
      %dma_wait3A_451 = arith.constant 0 : i32
      %dma_wait3A_452 = tpu.memref_slice %arg7[%dma_wait3A_450, %dma_wait3A_451] : memref<10000x128xf32, #tpu.memory_space<vmem_shared>> -> memref<10000x128xf32, #tpu.memory_space<vmem_shared>>
      tpu.wait_indirect_dma semaphore(%arg40 : memref<!tpu.dma_semaphore, #tpu.memory_space<semaphore_mem>>) src(%arg24 : memref<80x128xf32, #tpu.memory_space<vmem>>) dst(%dma_wait3A_452 : memref<10000x128xf32, #tpu.memory_space<vmem_shared>>)
      %add3A_453 = arith.constant 3 : i32
      %add3A_454 = arith.addi %add3A_446, %add3A_453 : i32
      %mul3A_455 = arith.constant 80 : i32
      %mul3A_456 = arith.muli %add3A_454, %mul3A_455 : i32
      %add3A_457 = arith.addi %mul3A_11, %mul3A_456 : i32
      %dma_wait3A_458 = tpu.memref_slice %arg3[%add3A_457] : memref<320000xi32, #tpu.memory_space<hbm>> -> memref<80xi32, #tpu.memory_space<hbm>>
      %dma_wait3A_459 = tpu.memref_slice %arg3[%add3A_457] : memref<320000xi32, #tpu.memory_space<hbm>> -> memref<80xi32, #tpu.memory_space<hbm>>
      tpu.wait_dma2 semaphore(%arg32 : memref<!tpu.dma_semaphore, #tpu.memory_space<semaphore_mem>>) src(%dma_wait3A_459 : memref<80xi32, #tpu.memory_space<hbm>>) dst(%arg12 : memref<80xi32, #tpu.memory_space<vmem>>)
      %mul3A_460 = arith.constant 80 : i32
      %mul3A_461 = arith.muli %add3A_454, %mul3A_460 : i32
      %add3A_462 = arith.addi %mul3A_11, %mul3A_461 : i32
      %dma_wait3A_463 = tpu.memref_slice %arg4[%add3A_462] : memref<320000xi32, #tpu.memory_space<hbm>> -> memref<80xi32, #tpu.memory_space<hbm>>
      %dma_wait3A_464 = tpu.memref_slice %arg4[%add3A_462] : memref<320000xi32, #tpu.memory_space<hbm>> -> memref<80xi32, #tpu.memory_space<hbm>>
      tpu.wait_dma2 semaphore(%arg32 : memref<!tpu.dma_semaphore, #tpu.memory_space<semaphore_mem>>) src(%dma_wait3A_464 : memref<80xi32, #tpu.memory_space<hbm>>) dst(%arg20 : memref<80xi32, #tpu.memory_space<vmem>>)
      %dma_start3A_465 = arith.constant 0 : i32
      %dma_start3A_466 = arith.constant 0 : i32
      %dma_start3A_467 = tpu.memref_slice %arg2[%dma_start3A_465, %dma_start3A_466] : memref<10000x128xf32, #tpu.memory_space<hbm>> -> memref<10000x128xf32, #tpu.memory_space<hbm>>
      tpu.enqueue_indirect_dma source(%dma_start3A_467 : memref<10000x128xf32, #tpu.memory_space<hbm>>) target(%arg24 : memref<80x128xf32, #tpu.memory_space<vmem>>) offsets(%arg12 : memref<80xi32, #tpu.memory_space<vmem>>) semaphore(%arg36 : memref<!tpu.dma_semaphore, #tpu.memory_space<semaphore_mem>>)
      %dma_start3A_468 = arith.constant 0 : i32
      %dma_start3A_469 = arith.constant 0 : i32
      %dma_start3A_470 = tpu.memref_slice %arg7[%dma_start3A_468, %dma_start3A_469] : memref<10000x128xf32, #tpu.memory_space<vmem_shared>> -> memref<10000x128xf32, #tpu.memory_space<vmem_shared>>
      tpu.enqueue_indirect_dma source(%arg25 : memref<80x128xf32, #tpu.memory_space<vmem>>) target(%dma_start3A_470 : memref<10000x128xf32, #tpu.memory_space<vmem_shared>>) offsets(%arg17 : memref<80xi32, #tpu.memory_space<vmem>>) semaphore(%arg41 : memref<!tpu.dma_semaphore, #tpu.memory_space<semaphore_mem>>) {add = true}
      %add3A_471 = arith.constant 4 : i32
      %add3A_472 = arith.addi %add3A_446, %add3A_471 : i32
      %mul3A_473 = arith.constant 80 : i32
      %mul3A_474 = arith.muli %add3A_472, %mul3A_473 : i32
      %add3A_475 = arith.addi %mul3A_11, %mul3A_474 : i32
      %dma_start3A_476 = tpu.memref_slice %arg3[%add3A_475] : memref<320000xi32, #tpu.memory_space<hbm>> -> memref<80xi32, #tpu.memory_space<hbm>>
      %dma_start3A_477 = tpu.memref_slice %arg3[%add3A_475] : memref<320000xi32, #tpu.memory_space<hbm>> -> memref<80xi32, #tpu.memory_space<hbm>>
      tpu.enqueue_dma source(%dma_start3A_477 : memref<80xi32, #tpu.memory_space<hbm>>) target(%arg13 : memref<80xi32, #tpu.memory_space<vmem>>) target_semaphore(%arg33 : memref<!tpu.dma_semaphore, #tpu.memory_space<semaphore_mem>>)
      %mul3A_478 = arith.constant 80 : i32
      %mul3A_479 = arith.muli %add3A_472, %mul3A_478 : i32
      %add3A_480 = arith.addi %mul3A_11, %mul3A_479 : i32
      %dma_start3A_481 = tpu.memref_slice %arg4[%add3A_480] : memref<320000xi32, #tpu.memory_space<hbm>> -> memref<80xi32, #tpu.memory_space<hbm>>
      %dma_start3A_482 = tpu.memref_slice %arg4[%add3A_480] : memref<320000xi32, #tpu.memory_space<hbm>> -> memref<80xi32, #tpu.memory_space<hbm>>
      tpu.enqueue_dma source(%dma_start3A_482 : memref<80xi32, #tpu.memory_space<hbm>>) target(%arg21 : memref<80xi32, #tpu.memory_space<vmem>>) target_semaphore(%arg33 : memref<!tpu.dma_semaphore, #tpu.memory_space<semaphore_mem>>)
      %add3A_483 = arith.constant 2 : i32
      %add3A_484 = arith.addi %add3A_406, %add3A_483 : i32
      %dma_wait3A_485 = arith.constant 0 : i32
      %dma_wait3A_486 = arith.constant 0 : i32
      %dma_wait3A_487 = tpu.memref_slice %arg2[%dma_wait3A_485, %dma_wait3A_486] : memref<10000x128xf32, #tpu.memory_space<hbm>> -> memref<10000x128xf32, #tpu.memory_space<hbm>>
      tpu.wait_indirect_dma semaphore(%arg38 : memref<!tpu.dma_semaphore, #tpu.memory_space<semaphore_mem>>) src(%dma_wait3A_487 : memref<10000x128xf32, #tpu.memory_space<hbm>>) dst(%arg26 : memref<80x128xf32, #tpu.memory_space<vmem>>)
      %dma_wait3A_488 = arith.constant 0 : i32
      %dma_wait3A_489 = arith.constant 0 : i32
      %dma_wait3A_490 = tpu.memref_slice %arg7[%dma_wait3A_488, %dma_wait3A_489] : memref<10000x128xf32, #tpu.memory_space<vmem_shared>> -> memref<10000x128xf32, #tpu.memory_space<vmem_shared>>
      tpu.wait_indirect_dma semaphore(%arg41 : memref<!tpu.dma_semaphore, #tpu.memory_space<semaphore_mem>>) src(%arg25 : memref<80x128xf32, #tpu.memory_space<vmem>>) dst(%dma_wait3A_490 : memref<10000x128xf32, #tpu.memory_space<vmem_shared>>)
      %add3A_491 = arith.constant 3 : i32
      %add3A_492 = arith.addi %add3A_484, %add3A_491 : i32
      %mul3A_493 = arith.constant 80 : i32
      %mul3A_494 = arith.muli %add3A_492, %mul3A_493 : i32
      %add3A_495 = arith.addi %mul3A_11, %mul3A_494 : i32
      %dma_wait3A_496 = tpu.memref_slice %arg3[%add3A_495] : memref<320000xi32, #tpu.memory_space<hbm>> -> memref<80xi32, #tpu.memory_space<hbm>>
      %dma_wait3A_497 = tpu.memref_slice %arg3[%add3A_495] : memref<320000xi32, #tpu.memory_space<hbm>> -> memref<80xi32, #tpu.memory_space<hbm>>
      tpu.wait_dma2 semaphore(%arg33 : memref<!tpu.dma_semaphore, #tpu.memory_space<semaphore_mem>>) src(%dma_wait3A_497 : memref<80xi32, #tpu.memory_space<hbm>>) dst(%arg13 : memref<80xi32, #tpu.memory_space<vmem>>)
      %mul3A_498 = arith.constant 80 : i32
      %mul3A_499 = arith.muli %add3A_492, %mul3A_498 : i32
      %add3A_500 = arith.addi %mul3A_11, %mul3A_499 : i32
      %dma_wait3A_501 = tpu.memref_slice %arg4[%add3A_500] : memref<320000xi32, #tpu.memory_space<hbm>> -> memref<80xi32, #tpu.memory_space<hbm>>
      %dma_wait3A_502 = tpu.memref_slice %arg4[%add3A_500] : memref<320000xi32, #tpu.memory_space<hbm>> -> memref<80xi32, #tpu.memory_space<hbm>>
      tpu.wait_dma2 semaphore(%arg33 : memref<!tpu.dma_semaphore, #tpu.memory_space<semaphore_mem>>) src(%dma_wait3A_502 : memref<80xi32, #tpu.memory_space<hbm>>) dst(%arg21 : memref<80xi32, #tpu.memory_space<vmem>>)
      %dma_start3A_503 = arith.constant 0 : i32
      %dma_start3A_504 = arith.constant 0 : i32
      %dma_start3A_505 = tpu.memref_slice %arg2[%dma_start3A_503, %dma_start3A_504] : memref<10000x128xf32, #tpu.memory_space<hbm>> -> memref<10000x128xf32, #tpu.memory_space<hbm>>
      tpu.enqueue_indirect_dma source(%dma_start3A_505 : memref<10000x128xf32, #tpu.memory_space<hbm>>) target(%arg25 : memref<80x128xf32, #tpu.memory_space<vmem>>) offsets(%arg13 : memref<80xi32, #tpu.memory_space<vmem>>) semaphore(%arg37 : memref<!tpu.dma_semaphore, #tpu.memory_space<semaphore_mem>>)
      %dma_start3A_506 = arith.constant 0 : i32
      %dma_start3A_507 = arith.constant 0 : i32
      %dma_start3A_508 = tpu.memref_slice %arg7[%dma_start3A_506, %dma_start3A_507] : memref<10000x128xf32, #tpu.memory_space<vmem_shared>> -> memref<10000x128xf32, #tpu.memory_space<vmem_shared>>
      tpu.enqueue_indirect_dma source(%arg26 : memref<80x128xf32, #tpu.memory_space<vmem>>) target(%dma_start3A_508 : memref<10000x128xf32, #tpu.memory_space<vmem_shared>>) offsets(%arg18 : memref<80xi32, #tpu.memory_space<vmem>>) semaphore(%arg42 : memref<!tpu.dma_semaphore, #tpu.memory_space<semaphore_mem>>) {add = true}
      %add3A_509 = arith.constant 4 : i32
      %add3A_510 = arith.addi %add3A_484, %add3A_509 : i32
      %mul3A_511 = arith.constant 80 : i32
      %mul3A_512 = arith.muli %add3A_510, %mul3A_511 : i32
      %add3A_513 = arith.addi %mul3A_11, %mul3A_512 : i32
      %dma_start3A_514 = tpu.memref_slice %arg3[%add3A_513] : memref<320000xi32, #tpu.memory_space<hbm>> -> memref<80xi32, #tpu.memory_space<hbm>>
      %dma_start3A_515 = tpu.memref_slice %arg3[%add3A_513] : memref<320000xi32, #tpu.memory_space<hbm>> -> memref<80xi32, #tpu.memory_space<hbm>>
      tpu.enqueue_dma source(%dma_start3A_515 : memref<80xi32, #tpu.memory_space<hbm>>) target(%arg14 : memref<80xi32, #tpu.memory_space<vmem>>) target_semaphore(%arg34 : memref<!tpu.dma_semaphore, #tpu.memory_space<semaphore_mem>>)
      %mul3A_516 = arith.constant 80 : i32
      %mul3A_517 = arith.muli %add3A_510, %mul3A_516 : i32
      %add3A_518 = arith.addi %mul3A_11, %mul3A_517 : i32
      %dma_start3A_519 = tpu.memref_slice %arg4[%add3A_518] : memref<320000xi32, #tpu.memory_space<hbm>> -> memref<80xi32, #tpu.memory_space<hbm>>
      %dma_start3A_520 = tpu.memref_slice %arg4[%add3A_518] : memref<320000xi32, #tpu.memory_space<hbm>> -> memref<80xi32, #tpu.memory_space<hbm>>
      tpu.enqueue_dma source(%dma_start3A_520 : memref<80xi32, #tpu.memory_space<hbm>>) target(%arg22 : memref<80xi32, #tpu.memory_space<vmem>>) target_semaphore(%arg34 : memref<!tpu.dma_semaphore, #tpu.memory_space<semaphore_mem>>)
      %add3A_521 = arith.constant 3 : i32
      %add3A_522 = arith.addi %add3A_406, %add3A_521 : i32
      %dma_wait3A_523 = arith.constant 0 : i32
      %dma_wait3A_524 = arith.constant 0 : i32
      %dma_wait3A_525 = tpu.memref_slice %arg2[%dma_wait3A_523, %dma_wait3A_524] : memref<10000x128xf32, #tpu.memory_space<hbm>> -> memref<10000x128xf32, #tpu.memory_space<hbm>>
      tpu.wait_indirect_dma semaphore(%arg39 : memref<!tpu.dma_semaphore, #tpu.memory_space<semaphore_mem>>) src(%dma_wait3A_525 : memref<10000x128xf32, #tpu.memory_space<hbm>>) dst(%arg27 : memref<80x128xf32, #tpu.memory_space<vmem>>)
      %dma_wait3A_526 = arith.constant 0 : i32
      %dma_wait3A_527 = arith.constant 0 : i32
      %dma_wait3A_528 = tpu.memref_slice %arg7[%dma_wait3A_526, %dma_wait3A_527] : memref<10000x128xf32, #tpu.memory_space<vmem_shared>> -> memref<10000x128xf32, #tpu.memory_space<vmem_shared>>
      tpu.wait_indirect_dma semaphore(%arg42 : memref<!tpu.dma_semaphore, #tpu.memory_space<semaphore_mem>>) src(%arg26 : memref<80x128xf32, #tpu.memory_space<vmem>>) dst(%dma_wait3A_528 : memref<10000x128xf32, #tpu.memory_space<vmem_shared>>)
      %add3A_529 = arith.constant 3 : i32
      %add3A_530 = arith.addi %add3A_522, %add3A_529 : i32
      %mul3A_531 = arith.constant 80 : i32
      %mul3A_532 = arith.muli %add3A_530, %mul3A_531 : i32
      %add3A_533 = arith.addi %mul3A_11, %mul3A_532 : i32
      %dma_wait3A_534 = tpu.memref_slice %arg3[%add3A_533] : memref<320000xi32, #tpu.memory_space<hbm>> -> memref<80xi32, #tpu.memory_space<hbm>>
      %dma_wait3A_535 = tpu.memref_slice %arg3[%add3A_533] : memref<320000xi32, #tpu.memory_space<hbm>> -> memref<80xi32, #tpu.memory_space<hbm>>
      tpu.wait_dma2 semaphore(%arg34 : memref<!tpu.dma_semaphore, #tpu.memory_space<semaphore_mem>>) src(%dma_wait3A_535 : memref<80xi32, #tpu.memory_space<hbm>>) dst(%arg14 : memref<80xi32, #tpu.memory_space<vmem>>)
      %mul3A_536 = arith.constant 80 : i32
      %mul3A_537 = arith.muli %add3A_530, %mul3A_536 : i32
      %add3A_538 = arith.addi %mul3A_11, %mul3A_537 : i32
      %dma_wait3A_539 = tpu.memref_slice %arg4[%add3A_538] : memref<320000xi32, #tpu.memory_space<hbm>> -> memref<80xi32, #tpu.memory_space<hbm>>
      %dma_wait3A_540 = tpu.memref_slice %arg4[%add3A_538] : memref<320000xi32, #tpu.memory_space<hbm>> -> memref<80xi32, #tpu.memory_space<hbm>>
      tpu.wait_dma2 semaphore(%arg34 : memref<!tpu.dma_semaphore, #tpu.memory_space<semaphore_mem>>) src(%dma_wait3A_540 : memref<80xi32, #tpu.memory_space<hbm>>) dst(%arg22 : memref<80xi32, #tpu.memory_space<vmem>>)
      %dma_start3A_541 = arith.constant 0 : i32
      %dma_start3A_542 = arith.constant 0 : i32
      %dma_start3A_543 = tpu.memref_slice %arg2[%dma_start3A_541, %dma_start3A_542] : memref<10000x128xf32, #tpu.memory_space<hbm>> -> memref<10000x128xf32, #tpu.memory_space<hbm>>
      tpu.enqueue_indirect_dma source(%dma_start3A_543 : memref<10000x128xf32, #tpu.memory_space<hbm>>) target(%arg26 : memref<80x128xf32, #tpu.memory_space<vmem>>) offsets(%arg14 : memref<80xi32, #tpu.memory_space<vmem>>) semaphore(%arg38 : memref<!tpu.dma_semaphore, #tpu.memory_space<semaphore_mem>>)
      %dma_start3A_544 = arith.constant 0 : i32
      %dma_start3A_545 = arith.constant 0 : i32
      %dma_start3A_546 = tpu.memref_slice %arg7[%dma_start3A_544, %dma_start3A_545] : memref<10000x128xf32, #tpu.memory_space<vmem_shared>> -> memref<10000x128xf32, #tpu.memory_space<vmem_shared>>
      tpu.enqueue_indirect_dma source(%arg27 : memref<80x128xf32, #tpu.memory_space<vmem>>) target(%dma_start3A_546 : memref<10000x128xf32, #tpu.memory_space<vmem_shared>>) offsets(%arg19 : memref<80xi32, #tpu.memory_space<vmem>>) semaphore(%arg43 : memref<!tpu.dma_semaphore, #tpu.memory_space<semaphore_mem>>) {add = true}
      %add3A_547 = arith.constant 4 : i32
      %add3A_548 = arith.addi %add3A_522, %add3A_547 : i32
      %mul3A_549 = arith.constant 80 : i32
      %mul3A_550 = arith.muli %add3A_548, %mul3A_549 : i32
      %add3A_551 = arith.addi %mul3A_11, %mul3A_550 : i32
      %dma_start3A_552 = tpu.memref_slice %arg3[%add3A_551] : memref<320000xi32, #tpu.memory_space<hbm>> -> memref<80xi32, #tpu.memory_space<hbm>>
      %dma_start3A_553 = tpu.memref_slice %arg3[%add3A_551] : memref<320000xi32, #tpu.memory_space<hbm>> -> memref<80xi32, #tpu.memory_space<hbm>>
      tpu.enqueue_dma source(%dma_start3A_553 : memref<80xi32, #tpu.memory_space<hbm>>) target(%arg15 : memref<80xi32, #tpu.memory_space<vmem>>) target_semaphore(%arg35 : memref<!tpu.dma_semaphore, #tpu.memory_space<semaphore_mem>>)
      %mul3A_554 = arith.constant 80 : i32
      %mul3A_555 = arith.muli %add3A_548, %mul3A_554 : i32
      %add3A_556 = arith.addi %mul3A_11, %mul3A_555 : i32
      %dma_start3A_557 = tpu.memref_slice %arg4[%add3A_556] : memref<320000xi32, #tpu.memory_space<hbm>> -> memref<80xi32, #tpu.memory_space<hbm>>
      %dma_start3A_558 = tpu.memref_slice %arg4[%add3A_556] : memref<320000xi32, #tpu.memory_space<hbm>> -> memref<80xi32, #tpu.memory_space<hbm>>
      tpu.enqueue_dma source(%dma_start3A_558 : memref<80xi32, #tpu.memory_space<hbm>>) target(%arg23 : memref<80xi32, #tpu.memory_space<vmem>>) target_semaphore(%arg35 : memref<!tpu.dma_semaphore, #tpu.memory_space<semaphore_mem>>)
      %add3A_559 = arith.constant 4 : i32
      %add3A_560 = arith.addi %add3A_406, %add3A_559 : i32
      %dma_wait3A_561 = arith.constant 0 : i32
      %dma_wait3A_562 = arith.constant 0 : i32
      %dma_wait3A_563 = tpu.memref_slice %arg2[%dma_wait3A_561, %dma_wait3A_562] : memref<10000x128xf32, #tpu.memory_space<hbm>> -> memref<10000x128xf32, #tpu.memory_space<hbm>>
      tpu.wait_indirect_dma semaphore(%arg36 : memref<!tpu.dma_semaphore, #tpu.memory_space<semaphore_mem>>) src(%dma_wait3A_563 : memref<10000x128xf32, #tpu.memory_space<hbm>>) dst(%arg24 : memref<80x128xf32, #tpu.memory_space<vmem>>)
      %dma_wait3A_564 = arith.constant 0 : i32
      %dma_wait3A_565 = arith.constant 0 : i32
      %dma_wait3A_566 = tpu.memref_slice %arg7[%dma_wait3A_564, %dma_wait3A_565] : memref<10000x128xf32, #tpu.memory_space<vmem_shared>> -> memref<10000x128xf32, #tpu.memory_space<vmem_shared>>
      tpu.wait_indirect_dma semaphore(%arg43 : memref<!tpu.dma_semaphore, #tpu.memory_space<semaphore_mem>>) src(%arg27 : memref<80x128xf32, #tpu.memory_space<vmem>>) dst(%dma_wait3A_566 : memref<10000x128xf32, #tpu.memory_space<vmem_shared>>)
      %add3A_567 = arith.constant 3 : i32
      %add3A_568 = arith.addi %add3A_560, %add3A_567 : i32
      %mul3A_569 = arith.constant 80 : i32
      %mul3A_570 = arith.muli %add3A_568, %mul3A_569 : i32
      %add3A_571 = arith.addi %mul3A_11, %mul3A_570 : i32
      %dma_wait3A_572 = tpu.memref_slice %arg3[%add3A_571] : memref<320000xi32, #tpu.memory_space<hbm>> -> memref<80xi32, #tpu.memory_space<hbm>>
      %dma_wait3A_573 = tpu.memref_slice %arg3[%add3A_571] : memref<320000xi32, #tpu.memory_space<hbm>> -> memref<80xi32, #tpu.memory_space<hbm>>
      tpu.wait_dma2 semaphore(%arg35 : memref<!tpu.dma_semaphore, #tpu.memory_space<semaphore_mem>>) src(%dma_wait3A_573 : memref<80xi32, #tpu.memory_space<hbm>>) dst(%arg15 : memref<80xi32, #tpu.memory_space<vmem>>)
      %mul3A_574 = arith.constant 80 : i32
      %mul3A_575 = arith.muli %add3A_568, %mul3A_574 : i32
      %add3A_576 = arith.addi %mul3A_11, %mul3A_575 : i32
      %dma_wait3A_577 = tpu.memref_slice %arg4[%add3A_576] : memref<320000xi32, #tpu.memory_space<hbm>> -> memref<80xi32, #tpu.memory_space<hbm>>
      %dma_wait3A_578 = tpu.memref_slice %arg4[%add3A_576] : memref<320000xi32, #tpu.memory_space<hbm>> -> memref<80xi32, #tpu.memory_space<hbm>>
      tpu.wait_dma2 semaphore(%arg35 : memref<!tpu.dma_semaphore, #tpu.memory_space<semaphore_mem>>) src(%dma_wait3A_578 : memref<80xi32, #tpu.memory_space<hbm>>) dst(%arg23 : memref<80xi32, #tpu.memory_space<vmem>>)
      %dma_start3A_579 = arith.constant 0 : i32
      %dma_start3A_580 = arith.constant 0 : i32
      %dma_start3A_581 = tpu.memref_slice %arg2[%dma_start3A_579, %dma_start3A_580] : memref<10000x128xf32, #tpu.memory_space<hbm>> -> memref<10000x128xf32, #tpu.memory_space<hbm>>
      tpu.enqueue_indirect_dma source(%dma_start3A_581 : memref<10000x128xf32, #tpu.memory_space<hbm>>) target(%arg27 : memref<80x128xf32, #tpu.memory_space<vmem>>) offsets(%arg15 : memref<80xi32, #tpu.memory_space<vmem>>) semaphore(%arg39 : memref<!tpu.dma_semaphore, #tpu.memory_space<semaphore_mem>>)
      %dma_start3A_582 = arith.constant 0 : i32
      %dma_start3A_583 = arith.constant 0 : i32
      %dma_start3A_584 = tpu.memref_slice %arg7[%dma_start3A_582, %dma_start3A_583] : memref<10000x128xf32, #tpu.memory_space<vmem_shared>> -> memref<10000x128xf32, #tpu.memory_space<vmem_shared>>
      tpu.enqueue_indirect_dma source(%arg24 : memref<80x128xf32, #tpu.memory_space<vmem>>) target(%dma_start3A_584 : memref<10000x128xf32, #tpu.memory_space<vmem_shared>>) offsets(%arg20 : memref<80xi32, #tpu.memory_space<vmem>>) semaphore(%arg40 : memref<!tpu.dma_semaphore, #tpu.memory_space<semaphore_mem>>) {add = true}
      %add3A_585 = arith.constant 4 : i32
      %add3A_586 = arith.addi %add3A_560, %add3A_585 : i32
      %mul3A_587 = arith.constant 80 : i32
      %mul3A_588 = arith.muli %add3A_586, %mul3A_587 : i32
      %add3A_589 = arith.addi %mul3A_11, %mul3A_588 : i32
      %dma_start3A_590 = tpu.memref_slice %arg3[%add3A_589] : memref<320000xi32, #tpu.memory_space<hbm>> -> memref<80xi32, #tpu.memory_space<hbm>>
      %dma_start3A_591 = tpu.memref_slice %arg3[%add3A_589] : memref<320000xi32, #tpu.memory_space<hbm>> -> memref<80xi32, #tpu.memory_space<hbm>>
      tpu.enqueue_dma source(%dma_start3A_591 : memref<80xi32, #tpu.memory_space<hbm>>) target(%arg8 : memref<80xi32, #tpu.memory_space<vmem>>) target_semaphore(%arg28 : memref<!tpu.dma_semaphore, #tpu.memory_space<semaphore_mem>>)
      %mul3A_592 = arith.constant 80 : i32
      %mul3A_593 = arith.muli %add3A_586, %mul3A_592 : i32
      %add3A_594 = arith.addi %mul3A_11, %mul3A_593 : i32
      %dma_start3A_595 = tpu.memref_slice %arg4[%add3A_594] : memref<320000xi32, #tpu.memory_space<hbm>> -> memref<80xi32, #tpu.memory_space<hbm>>
      %dma_start3A_596 = tpu.memref_slice %arg4[%add3A_594] : memref<320000xi32, #tpu.memory_space<hbm>> -> memref<80xi32, #tpu.memory_space<hbm>>
      tpu.enqueue_dma source(%dma_start3A_596 : memref<80xi32, #tpu.memory_space<hbm>>) target(%arg16 : memref<80xi32, #tpu.memory_space<vmem>>) target_semaphore(%arg28 : memref<!tpu.dma_semaphore, #tpu.memory_space<semaphore_mem>>)
      %add3A_597 = arith.constant 5 : i32
      %add3A_598 = arith.addi %add3A_406, %add3A_597 : i32
      %dma_wait3A_599 = arith.constant 0 : i32
      %dma_wait3A_600 = arith.constant 0 : i32
      %dma_wait3A_601 = tpu.memref_slice %arg2[%dma_wait3A_599, %dma_wait3A_600] : memref<10000x128xf32, #tpu.memory_space<hbm>> -> memref<10000x128xf32, #tpu.memory_space<hbm>>
      tpu.wait_indirect_dma semaphore(%arg37 : memref<!tpu.dma_semaphore, #tpu.memory_space<semaphore_mem>>) src(%dma_wait3A_601 : memref<10000x128xf32, #tpu.memory_space<hbm>>) dst(%arg25 : memref<80x128xf32, #tpu.memory_space<vmem>>)
      %dma_wait3A_602 = arith.constant 0 : i32
      %dma_wait3A_603 = arith.constant 0 : i32
      %dma_wait3A_604 = tpu.memref_slice %arg7[%dma_wait3A_602, %dma_wait3A_603] : memref<10000x128xf32, #tpu.memory_space<vmem_shared>> -> memref<10000x128xf32, #tpu.memory_space<vmem_shared>>
      tpu.wait_indirect_dma semaphore(%arg40 : memref<!tpu.dma_semaphore, #tpu.memory_space<semaphore_mem>>) src(%arg24 : memref<80x128xf32, #tpu.memory_space<vmem>>) dst(%dma_wait3A_604 : memref<10000x128xf32, #tpu.memory_space<vmem_shared>>)
      %add3A_605 = arith.constant 3 : i32
      %add3A_606 = arith.addi %add3A_598, %add3A_605 : i32
      %mul3A_607 = arith.constant 80 : i32
      %mul3A_608 = arith.muli %add3A_606, %mul3A_607 : i32
      %add3A_609 = arith.addi %mul3A_11, %mul3A_608 : i32
      %dma_wait3A_610 = tpu.memref_slice %arg3[%add3A_609] : memref<320000xi32, #tpu.memory_space<hbm>> -> memref<80xi32, #tpu.memory_space<hbm>>
      %dma_wait3A_611 = tpu.memref_slice %arg3[%add3A_609] : memref<320000xi32, #tpu.memory_space<hbm>> -> memref<80xi32, #tpu.memory_space<hbm>>
      tpu.wait_dma2 semaphore(%arg28 : memref<!tpu.dma_semaphore, #tpu.memory_space<semaphore_mem>>) src(%dma_wait3A_611 : memref<80xi32, #tpu.memory_space<hbm>>) dst(%arg8 : memref<80xi32, #tpu.memory_space<vmem>>)
      %mul3A_612 = arith.constant 80 : i32
      %mul3A_613 = arith.muli %add3A_606, %mul3A_612 : i32
      %add3A_614 = arith.addi %mul3A_11, %mul3A_613 : i32
      %dma_wait3A_615 = tpu.memref_slice %arg4[%add3A_614] : memref<320000xi32, #tpu.memory_space<hbm>> -> memref<80xi32, #tpu.memory_space<hbm>>
      %dma_wait3A_616 = tpu.memref_slice %arg4[%add3A_614] : memref<320000xi32, #tpu.memory_space<hbm>> -> memref<80xi32, #tpu.memory_space<hbm>>
      tpu.wait_dma2 semaphore(%arg28 : memref<!tpu.dma_semaphore, #tpu.memory_space<semaphore_mem>>) src(%dma_wait3A_616 : memref<80xi32, #tpu.memory_space<hbm>>) dst(%arg16 : memref<80xi32, #tpu.memory_space<vmem>>)
      %dma_start3A_617 = arith.constant 0 : i32
      %dma_start3A_618 = arith.constant 0 : i32
      %dma_start3A_619 = tpu.memref_slice %arg2[%dma_start3A_617, %dma_start3A_618] : memref<10000x128xf32, #tpu.memory_space<hbm>> -> memref<10000x128xf32, #tpu.memory_space<hbm>>
      tpu.enqueue_indirect_dma source(%dma_start3A_619 : memref<10000x128xf32, #tpu.memory_space<hbm>>) target(%arg24 : memref<80x128xf32, #tpu.memory_space<vmem>>) offsets(%arg8 : memref<80xi32, #tpu.memory_space<vmem>>) semaphore(%arg36 : memref<!tpu.dma_semaphore, #tpu.memory_space<semaphore_mem>>)
      %dma_start3A_620 = arith.constant 0 : i32
      %dma_start3A_621 = arith.constant 0 : i32
      %dma_start3A_622 = tpu.memref_slice %arg7[%dma_start3A_620, %dma_start3A_621] : memref<10000x128xf32, #tpu.memory_space<vmem_shared>> -> memref<10000x128xf32, #tpu.memory_space<vmem_shared>>
      tpu.enqueue_indirect_dma source(%arg25 : memref<80x128xf32, #tpu.memory_space<vmem>>) target(%dma_start3A_622 : memref<10000x128xf32, #tpu.memory_space<vmem_shared>>) offsets(%arg21 : memref<80xi32, #tpu.memory_space<vmem>>) semaphore(%arg41 : memref<!tpu.dma_semaphore, #tpu.memory_space<semaphore_mem>>) {add = true}
      %add3A_623 = arith.constant 4 : i32
      %add3A_624 = arith.addi %add3A_598, %add3A_623 : i32
      %mul3A_625 = arith.constant 80 : i32
      %mul3A_626 = arith.muli %add3A_624, %mul3A_625 : i32
      %add3A_627 = arith.addi %mul3A_11, %mul3A_626 : i32
      %dma_start3A_628 = tpu.memref_slice %arg3[%add3A_627] : memref<320000xi32, #tpu.memory_space<hbm>> -> memref<80xi32, #tpu.memory_space<hbm>>
      %dma_start3A_629 = tpu.memref_slice %arg3[%add3A_627] : memref<320000xi32, #tpu.memory_space<hbm>> -> memref<80xi32, #tpu.memory_space<hbm>>
      tpu.enqueue_dma source(%dma_start3A_629 : memref<80xi32, #tpu.memory_space<hbm>>) target(%arg9 : memref<80xi32, #tpu.memory_space<vmem>>) target_semaphore(%arg29 : memref<!tpu.dma_semaphore, #tpu.memory_space<semaphore_mem>>)
      %mul3A_630 = arith.constant 80 : i32
      %mul3A_631 = arith.muli %add3A_624, %mul3A_630 : i32
      %add3A_632 = arith.addi %mul3A_11, %mul3A_631 : i32
      %dma_start3A_633 = tpu.memref_slice %arg4[%add3A_632] : memref<320000xi32, #tpu.memory_space<hbm>> -> memref<80xi32, #tpu.memory_space<hbm>>
      %dma_start3A_634 = tpu.memref_slice %arg4[%add3A_632] : memref<320000xi32, #tpu.memory_space<hbm>> -> memref<80xi32, #tpu.memory_space<hbm>>
      tpu.enqueue_dma source(%dma_start3A_634 : memref<80xi32, #tpu.memory_space<hbm>>) target(%arg17 : memref<80xi32, #tpu.memory_space<vmem>>) target_semaphore(%arg29 : memref<!tpu.dma_semaphore, #tpu.memory_space<semaphore_mem>>)
      %add3A_635 = arith.constant 6 : i32
      %add3A_636 = arith.addi %add3A_406, %add3A_635 : i32
      %dma_wait3A_637 = arith.constant 0 : i32
      %dma_wait3A_638 = arith.constant 0 : i32
      %dma_wait3A_639 = tpu.memref_slice %arg2[%dma_wait3A_637, %dma_wait3A_638] : memref<10000x128xf32, #tpu.memory_space<hbm>> -> memref<10000x128xf32, #tpu.memory_space<hbm>>
      tpu.wait_indirect_dma semaphore(%arg38 : memref<!tpu.dma_semaphore, #tpu.memory_space<semaphore_mem>>) src(%dma_wait3A_639 : memref<10000x128xf32, #tpu.memory_space<hbm>>) dst(%arg26 : memref<80x128xf32, #tpu.memory_space<vmem>>)
      %dma_wait3A_640 = arith.constant 0 : i32
      %dma_wait3A_641 = arith.constant 0 : i32
      %dma_wait3A_642 = tpu.memref_slice %arg7[%dma_wait3A_640, %dma_wait3A_641] : memref<10000x128xf32, #tpu.memory_space<vmem_shared>> -> memref<10000x128xf32, #tpu.memory_space<vmem_shared>>
      tpu.wait_indirect_dma semaphore(%arg41 : memref<!tpu.dma_semaphore, #tpu.memory_space<semaphore_mem>>) src(%arg25 : memref<80x128xf32, #tpu.memory_space<vmem>>) dst(%dma_wait3A_642 : memref<10000x128xf32, #tpu.memory_space<vmem_shared>>)
      %add3A_643 = arith.constant 3 : i32
      %add3A_644 = arith.addi %add3A_636, %add3A_643 : i32
      %mul3A_645 = arith.constant 80 : i32
      %mul3A_646 = arith.muli %add3A_644, %mul3A_645 : i32
      %add3A_647 = arith.addi %mul3A_11, %mul3A_646 : i32
      %dma_wait3A_648 = tpu.memref_slice %arg3[%add3A_647] : memref<320000xi32, #tpu.memory_space<hbm>> -> memref<80xi32, #tpu.memory_space<hbm>>
      %dma_wait3A_649 = tpu.memref_slice %arg3[%add3A_647] : memref<320000xi32, #tpu.memory_space<hbm>> -> memref<80xi32, #tpu.memory_space<hbm>>
      tpu.wait_dma2 semaphore(%arg29 : memref<!tpu.dma_semaphore, #tpu.memory_space<semaphore_mem>>) src(%dma_wait3A_649 : memref<80xi32, #tpu.memory_space<hbm>>) dst(%arg9 : memref<80xi32, #tpu.memory_space<vmem>>)
      %mul3A_650 = arith.constant 80 : i32
      %mul3A_651 = arith.muli %add3A_644, %mul3A_650 : i32
      %add3A_652 = arith.addi %mul3A_11, %mul3A_651 : i32
      %dma_wait3A_653 = tpu.memref_slice %arg4[%add3A_652] : memref<320000xi32, #tpu.memory_space<hbm>> -> memref<80xi32, #tpu.memory_space<hbm>>
      %dma_wait3A_654 = tpu.memref_slice %arg4[%add3A_652] : memref<320000xi32, #tpu.memory_space<hbm>> -> memref<80xi32, #tpu.memory_space<hbm>>
      tpu.wait_dma2 semaphore(%arg29 : memref<!tpu.dma_semaphore, #tpu.memory_space<semaphore_mem>>) src(%dma_wait3A_654 : memref<80xi32, #tpu.memory_space<hbm>>) dst(%arg17 : memref<80xi32, #tpu.memory_space<vmem>>)
      %dma_start3A_655 = arith.constant 0 : i32
      %dma_start3A_656 = arith.constant 0 : i32
      %dma_start3A_657 = tpu.memref_slice %arg2[%dma_start3A_655, %dma_start3A_656] : memref<10000x128xf32, #tpu.memory_space<hbm>> -> memref<10000x128xf32, #tpu.memory_space<hbm>>
      tpu.enqueue_indirect_dma source(%dma_start3A_657 : memref<10000x128xf32, #tpu.memory_space<hbm>>) target(%arg25 : memref<80x128xf32, #tpu.memory_space<vmem>>) offsets(%arg9 : memref<80xi32, #tpu.memory_space<vmem>>) semaphore(%arg37 : memref<!tpu.dma_semaphore, #tpu.memory_space<semaphore_mem>>)
      %dma_start3A_658 = arith.constant 0 : i32
      %dma_start3A_659 = arith.constant 0 : i32
      %dma_start3A_660 = tpu.memref_slice %arg7[%dma_start3A_658, %dma_start3A_659] : memref<10000x128xf32, #tpu.memory_space<vmem_shared>> -> memref<10000x128xf32, #tpu.memory_space<vmem_shared>>
      tpu.enqueue_indirect_dma source(%arg26 : memref<80x128xf32, #tpu.memory_space<vmem>>) target(%dma_start3A_660 : memref<10000x128xf32, #tpu.memory_space<vmem_shared>>) offsets(%arg22 : memref<80xi32, #tpu.memory_space<vmem>>) semaphore(%arg42 : memref<!tpu.dma_semaphore, #tpu.memory_space<semaphore_mem>>) {add = true}
      %add3A_661 = arith.constant 4 : i32
      %add3A_662 = arith.addi %add3A_636, %add3A_661 : i32
      %mul3A_663 = arith.constant 80 : i32
      %mul3A_664 = arith.muli %add3A_662, %mul3A_663 : i32
      %add3A_665 = arith.addi %mul3A_11, %mul3A_664 : i32
      %dma_start3A_666 = tpu.memref_slice %arg3[%add3A_665] : memref<320000xi32, #tpu.memory_space<hbm>> -> memref<80xi32, #tpu.memory_space<hbm>>
      %dma_start3A_667 = tpu.memref_slice %arg3[%add3A_665] : memref<320000xi32, #tpu.memory_space<hbm>> -> memref<80xi32, #tpu.memory_space<hbm>>
      tpu.enqueue_dma source(%dma_start3A_667 : memref<80xi32, #tpu.memory_space<hbm>>) target(%arg10 : memref<80xi32, #tpu.memory_space<vmem>>) target_semaphore(%arg30 : memref<!tpu.dma_semaphore, #tpu.memory_space<semaphore_mem>>)
      %mul3A_668 = arith.constant 80 : i32
      %mul3A_669 = arith.muli %add3A_662, %mul3A_668 : i32
      %add3A_670 = arith.addi %mul3A_11, %mul3A_669 : i32
      %dma_start3A_671 = tpu.memref_slice %arg4[%add3A_670] : memref<320000xi32, #tpu.memory_space<hbm>> -> memref<80xi32, #tpu.memory_space<hbm>>
      %dma_start3A_672 = tpu.memref_slice %arg4[%add3A_670] : memref<320000xi32, #tpu.memory_space<hbm>> -> memref<80xi32, #tpu.memory_space<hbm>>
      tpu.enqueue_dma source(%dma_start3A_672 : memref<80xi32, #tpu.memory_space<hbm>>) target(%arg18 : memref<80xi32, #tpu.memory_space<vmem>>) target_semaphore(%arg30 : memref<!tpu.dma_semaphore, #tpu.memory_space<semaphore_mem>>)
      %add3A_673 = arith.constant 7 : i32
      %add3A_674 = arith.addi %add3A_406, %add3A_673 : i32
      %dma_wait3A_675 = arith.constant 0 : i32
      %dma_wait3A_676 = arith.constant 0 : i32
      %dma_wait3A_677 = tpu.memref_slice %arg2[%dma_wait3A_675, %dma_wait3A_676] : memref<10000x128xf32, #tpu.memory_space<hbm>> -> memref<10000x128xf32, #tpu.memory_space<hbm>>
      tpu.wait_indirect_dma semaphore(%arg39 : memref<!tpu.dma_semaphore, #tpu.memory_space<semaphore_mem>>) src(%dma_wait3A_677 : memref<10000x128xf32, #tpu.memory_space<hbm>>) dst(%arg27 : memref<80x128xf32, #tpu.memory_space<vmem>>)
      %dma_wait3A_678 = arith.constant 0 : i32
      %dma_wait3A_679 = arith.constant 0 : i32
      %dma_wait3A_680 = tpu.memref_slice %arg7[%dma_wait3A_678, %dma_wait3A_679] : memref<10000x128xf32, #tpu.memory_space<vmem_shared>> -> memref<10000x128xf32, #tpu.memory_space<vmem_shared>>
      tpu.wait_indirect_dma semaphore(%arg42 : memref<!tpu.dma_semaphore, #tpu.memory_space<semaphore_mem>>) src(%arg26 : memref<80x128xf32, #tpu.memory_space<vmem>>) dst(%dma_wait3A_680 : memref<10000x128xf32, #tpu.memory_space<vmem_shared>>)
      %add3A_681 = arith.constant 3 : i32
      %add3A_682 = arith.addi %add3A_674, %add3A_681 : i32
      %mul3A_683 = arith.constant 80 : i32
      %mul3A_684 = arith.muli %add3A_682, %mul3A_683 : i32
      %add3A_685 = arith.addi %mul3A_11, %mul3A_684 : i32
      %dma_wait3A_686 = tpu.memref_slice %arg3[%add3A_685] : memref<320000xi32, #tpu.memory_space<hbm>> -> memref<80xi32, #tpu.memory_space<hbm>>
      %dma_wait3A_687 = tpu.memref_slice %arg3[%add3A_685] : memref<320000xi32, #tpu.memory_space<hbm>> -> memref<80xi32, #tpu.memory_space<hbm>>
      tpu.wait_dma2 semaphore(%arg30 : memref<!tpu.dma_semaphore, #tpu.memory_space<semaphore_mem>>) src(%dma_wait3A_687 : memref<80xi32, #tpu.memory_space<hbm>>) dst(%arg10 : memref<80xi32, #tpu.memory_space<vmem>>)
      %mul3A_688 = arith.constant 80 : i32
      %mul3A_689 = arith.muli %add3A_682, %mul3A_688 : i32
      %add3A_690 = arith.addi %mul3A_11, %mul3A_689 : i32
      %dma_wait3A_691 = tpu.memref_slice %arg4[%add3A_690] : memref<320000xi32, #tpu.memory_space<hbm>> -> memref<80xi32, #tpu.memory_space<hbm>>
      %dma_wait3A_692 = tpu.memref_slice %arg4[%add3A_690] : memref<320000xi32, #tpu.memory_space<hbm>> -> memref<80xi32, #tpu.memory_space<hbm>>
      tpu.wait_dma2 semaphore(%arg30 : memref<!tpu.dma_semaphore, #tpu.memory_space<semaphore_mem>>) src(%dma_wait3A_692 : memref<80xi32, #tpu.memory_space<hbm>>) dst(%arg18 : memref<80xi32, #tpu.memory_space<vmem>>)
      %dma_start3A_693 = arith.constant 0 : i32
      %dma_start3A_694 = arith.constant 0 : i32
      %dma_start3A_695 = tpu.memref_slice %arg2[%dma_start3A_693, %dma_start3A_694] : memref<10000x128xf32, #tpu.memory_space<hbm>> -> memref<10000x128xf32, #tpu.memory_space<hbm>>
      tpu.enqueue_indirect_dma source(%dma_start3A_695 : memref<10000x128xf32, #tpu.memory_space<hbm>>) target(%arg26 : memref<80x128xf32, #tpu.memory_space<vmem>>) offsets(%arg10 : memref<80xi32, #tpu.memory_space<vmem>>) semaphore(%arg38 : memref<!tpu.dma_semaphore, #tpu.memory_space<semaphore_mem>>)
      %dma_start3A_696 = arith.constant 0 : i32
      %dma_start3A_697 = arith.constant 0 : i32
      %dma_start3A_698 = tpu.memref_slice %arg7[%dma_start3A_696, %dma_start3A_697] : memref<10000x128xf32, #tpu.memory_space<vmem_shared>> -> memref<10000x128xf32, #tpu.memory_space<vmem_shared>>
      tpu.enqueue_indirect_dma source(%arg27 : memref<80x128xf32, #tpu.memory_space<vmem>>) target(%dma_start3A_698 : memref<10000x128xf32, #tpu.memory_space<vmem_shared>>) offsets(%arg23 : memref<80xi32, #tpu.memory_space<vmem>>) semaphore(%arg43 : memref<!tpu.dma_semaphore, #tpu.memory_space<semaphore_mem>>) {add = true}
      %add3A_699 = arith.constant 4 : i32
      %add3A_700 = arith.addi %add3A_674, %add3A_699 : i32
      %mul3A_701 = arith.constant 80 : i32
      %mul3A_702 = arith.muli %add3A_700, %mul3A_701 : i32
      %add3A_703 = arith.addi %mul3A_11, %mul3A_702 : i32
      %dma_start3A_704 = tpu.memref_slice %arg3[%add3A_703] : memref<320000xi32, #tpu.memory_space<hbm>> -> memref<80xi32, #tpu.memory_space<hbm>>
      %dma_start3A_705 = tpu.memref_slice %arg3[%add3A_703] : memref<320000xi32, #tpu.memory_space<hbm>> -> memref<80xi32, #tpu.memory_space<hbm>>
      tpu.enqueue_dma source(%dma_start3A_705 : memref<80xi32, #tpu.memory_space<hbm>>) target(%arg11 : memref<80xi32, #tpu.memory_space<vmem>>) target_semaphore(%arg31 : memref<!tpu.dma_semaphore, #tpu.memory_space<semaphore_mem>>)
      %mul3A_706 = arith.constant 80 : i32
      %mul3A_707 = arith.muli %add3A_700, %mul3A_706 : i32
      %add3A_708 = arith.addi %mul3A_11, %mul3A_707 : i32
      %dma_start3A_709 = tpu.memref_slice %arg4[%add3A_708] : memref<320000xi32, #tpu.memory_space<hbm>> -> memref<80xi32, #tpu.memory_space<hbm>>
      %dma_start3A_710 = tpu.memref_slice %arg4[%add3A_708] : memref<320000xi32, #tpu.memory_space<hbm>> -> memref<80xi32, #tpu.memory_space<hbm>>
      tpu.enqueue_dma source(%dma_start3A_710 : memref<80xi32, #tpu.memory_space<hbm>>) target(%arg19 : memref<80xi32, #tpu.memory_space<vmem>>) target_semaphore(%arg31 : memref<!tpu.dma_semaphore, #tpu.memory_space<semaphore_mem>>)
    }
    %scan3A_313 = arith.constant 14 : i32
    %dma_wait3A_314 = arith.constant 0 : i32
    %dma_wait3A_315 = arith.constant 0 : i32
    %dma_wait3A_316 = tpu.memref_slice %arg2[%dma_wait3A_314, %dma_wait3A_315] : memref<10000x128xf32, #tpu.memory_space<hbm>> -> memref<10000x128xf32, #tpu.memory_space<hbm>>
    tpu.wait_indirect_dma semaphore(%arg36 : memref<!tpu.dma_semaphore, #tpu.memory_space<semaphore_mem>>) src(%dma_wait3A_316 : memref<10000x128xf32, #tpu.memory_space<hbm>>) dst(%arg24 : memref<80x128xf32, #tpu.memory_space<vmem>>)
    %dma_wait3A_317 = arith.constant 0 : i32
    %dma_wait3A_318 = arith.constant 0 : i32
    %dma_wait3A_319 = tpu.memref_slice %arg7[%dma_wait3A_317, %dma_wait3A_318] : memref<10000x128xf32, #tpu.memory_space<vmem_shared>> -> memref<10000x128xf32, #tpu.memory_space<vmem_shared>>
    tpu.wait_indirect_dma semaphore(%arg43 : memref<!tpu.dma_semaphore, #tpu.memory_space<semaphore_mem>>) src(%arg27 : memref<80x128xf32, #tpu.memory_space<vmem>>) dst(%dma_wait3A_319 : memref<10000x128xf32, #tpu.memory_space<vmem_shared>>)
    %add3A_320 = arith.constant 9840 : i32
    %add3A_321 = arith.addi %mul3A_11, %add3A_320 : i32
    %dma_wait3A_322 = tpu.memref_slice %arg3[%add3A_321] : memref<320000xi32, #tpu.memory_space<hbm>> -> memref<80xi32, #tpu.memory_space<hbm>>
    %dma_wait3A_323 = tpu.memref_slice %arg3[%add3A_321] : memref<320000xi32, #tpu.memory_space<hbm>> -> memref<80xi32, #tpu.memory_space<hbm>>
    tpu.wait_dma2 semaphore(%arg31 : memref<!tpu.dma_semaphore, #tpu.memory_space<semaphore_mem>>) src(%dma_wait3A_323 : memref<80xi32, #tpu.memory_space<hbm>>) dst(%arg11 : memref<80xi32, #tpu.memory_space<vmem>>)
    %add3A_324 = arith.constant 9840 : i32
    %add3A_325 = arith.addi %mul3A_11, %add3A_324 : i32
    %dma_wait3A_326 = tpu.memref_slice %arg4[%add3A_325] : memref<320000xi32, #tpu.memory_space<hbm>> -> memref<80xi32, #tpu.memory_space<hbm>>
    %dma_wait3A_327 = tpu.memref_slice %arg4[%add3A_325] : memref<320000xi32, #tpu.memory_space<hbm>> -> memref<80xi32, #tpu.memory_space<hbm>>
    tpu.wait_dma2 semaphore(%arg31 : memref<!tpu.dma_semaphore, #tpu.memory_space<semaphore_mem>>) src(%dma_wait3A_327 : memref<80xi32, #tpu.memory_space<hbm>>) dst(%arg19 : memref<80xi32, #tpu.memory_space<vmem>>)
    %dma_start3A_328 = arith.constant 0 : i32
    %dma_start3A_329 = arith.constant 0 : i32
    %dma_start3A_330 = tpu.memref_slice %arg2[%dma_start3A_328, %dma_start3A_329] : memref<10000x128xf32, #tpu.memory_space<hbm>> -> memref<10000x128xf32, #tpu.memory_space<hbm>>
    tpu.enqueue_indirect_dma source(%dma_start3A_330 : memref<10000x128xf32, #tpu.memory_space<hbm>>) target(%arg27 : memref<80x128xf32, #tpu.memory_space<vmem>>) offsets(%arg11 : memref<80xi32, #tpu.memory_space<vmem>>) semaphore(%arg39 : memref<!tpu.dma_semaphore, #tpu.memory_space<semaphore_mem>>)
    %dma_start3A_331 = arith.constant 0 : i32
    %dma_start3A_332 = arith.constant 0 : i32
    %dma_start3A_333 = tpu.memref_slice %arg7[%dma_start3A_331, %dma_start3A_332] : memref<10000x128xf32, #tpu.memory_space<vmem_shared>> -> memref<10000x128xf32, #tpu.memory_space<vmem_shared>>
    tpu.enqueue_indirect_dma source(%arg24 : memref<80x128xf32, #tpu.memory_space<vmem>>) target(%dma_start3A_333 : memref<10000x128xf32, #tpu.memory_space<vmem_shared>>) offsets(%arg16 : memref<80xi32, #tpu.memory_space<vmem>>) semaphore(%arg40 : memref<!tpu.dma_semaphore, #tpu.memory_space<semaphore_mem>>) {add = true}
    %add3A_334 = arith.constant 9920 : i32
    %add3A_335 = arith.addi %mul3A_11, %add3A_334 : i32
    %dma_start3A_336 = tpu.memref_slice %arg3[%add3A_335] : memref<320000xi32, #tpu.memory_space<hbm>> -> memref<80xi32, #tpu.memory_space<hbm>>
    %dma_start3A_337 = tpu.memref_slice %arg3[%add3A_335] : memref<320000xi32, #tpu.memory_space<hbm>> -> memref<80xi32, #tpu.memory_space<hbm>>
    tpu.enqueue_dma source(%dma_start3A_337 : memref<80xi32, #tpu.memory_space<hbm>>) target(%arg12 : memref<80xi32, #tpu.memory_space<vmem>>) target_semaphore(%arg32 : memref<!tpu.dma_semaphore, #tpu.memory_space<semaphore_mem>>)
    %add3A_338 = arith.constant 9920 : i32
    %add3A_339 = arith.addi %mul3A_11, %add3A_338 : i32
    %dma_start3A_340 = tpu.memref_slice %arg4[%add3A_339] : memref<320000xi32, #tpu.memory_space<hbm>> -> memref<80xi32, #tpu.memory_space<hbm>>
    %dma_start3A_341 = tpu.memref_slice %arg4[%add3A_339] : memref<320000xi32, #tpu.memory_space<hbm>> -> memref<80xi32, #tpu.memory_space<hbm>>
    tpu.enqueue_dma source(%dma_start3A_341 : memref<80xi32, #tpu.memory_space<hbm>>) target(%arg20 : memref<80xi32, #tpu.memory_space<vmem>>) target_semaphore(%arg32 : memref<!tpu.dma_semaphore, #tpu.memory_space<semaphore_mem>>)
    %dma_wait3A_342 = arith.constant 0 : i32
    %dma_wait3A_343 = arith.constant 0 : i32
    %dma_wait3A_344 = tpu.memref_slice %arg2[%dma_wait3A_342, %dma_wait3A_343] : memref<10000x128xf32, #tpu.memory_space<hbm>> -> memref<10000x128xf32, #tpu.memory_space<hbm>>
    tpu.wait_indirect_dma semaphore(%arg37 : memref<!tpu.dma_semaphore, #tpu.memory_space<semaphore_mem>>) src(%dma_wait3A_344 : memref<10000x128xf32, #tpu.memory_space<hbm>>) dst(%arg25 : memref<80x128xf32, #tpu.memory_space<vmem>>)
    %dma_wait3A_345 = arith.constant 0 : i32
    %dma_wait3A_346 = arith.constant 0 : i32
    %dma_wait3A_347 = tpu.memref_slice %arg7[%dma_wait3A_345, %dma_wait3A_346] : memref<10000x128xf32, #tpu.memory_space<vmem_shared>> -> memref<10000x128xf32, #tpu.memory_space<vmem_shared>>
    tpu.wait_indirect_dma semaphore(%arg40 : memref<!tpu.dma_semaphore, #tpu.memory_space<semaphore_mem>>) src(%arg24 : memref<80x128xf32, #tpu.memory_space<vmem>>) dst(%dma_wait3A_347 : memref<10000x128xf32, #tpu.memory_space<vmem_shared>>)
    %add3A_348 = arith.constant 9920 : i32
    %add3A_349 = arith.addi %mul3A_11, %add3A_348 : i32
    %dma_wait3A_350 = tpu.memref_slice %arg3[%add3A_349] : memref<320000xi32, #tpu.memory_space<hbm>> -> memref<80xi32, #tpu.memory_space<hbm>>
    %dma_wait3A_351 = tpu.memref_slice %arg3[%add3A_349] : memref<320000xi32, #tpu.memory_space<hbm>> -> memref<80xi32, #tpu.memory_space<hbm>>
    tpu.wait_dma2 semaphore(%arg32 : memref<!tpu.dma_semaphore, #tpu.memory_space<semaphore_mem>>) src(%dma_wait3A_351 : memref<80xi32, #tpu.memory_space<hbm>>) dst(%arg12 : memref<80xi32, #tpu.memory_space<vmem>>)
    %add3A_352 = arith.constant 9920 : i32
    %add3A_353 = arith.addi %mul3A_11, %add3A_352 : i32
    %dma_wait3A_354 = tpu.memref_slice %arg4[%add3A_353] : memref<320000xi32, #tpu.memory_space<hbm>> -> memref<80xi32, #tpu.memory_space<hbm>>
    %dma_wait3A_355 = tpu.memref_slice %arg4[%add3A_353] : memref<320000xi32, #tpu.memory_space<hbm>> -> memref<80xi32, #tpu.memory_space<hbm>>
    tpu.wait_dma2 semaphore(%arg32 : memref<!tpu.dma_semaphore, #tpu.memory_space<semaphore_mem>>) src(%dma_wait3A_355 : memref<80xi32, #tpu.memory_space<hbm>>) dst(%arg20 : memref<80xi32, #tpu.memory_space<vmem>>)
    %dma_start3A_356 = arith.constant 0 : i32
    %dma_start3A_357 = arith.constant 0 : i32
    %dma_start3A_358 = tpu.memref_slice %arg2[%dma_start3A_356, %dma_start3A_357] : memref<10000x128xf32, #tpu.memory_space<hbm>> -> memref<10000x128xf32, #tpu.memory_space<hbm>>
    tpu.enqueue_indirect_dma source(%dma_start3A_358 : memref<10000x128xf32, #tpu.memory_space<hbm>>) target(%arg24 : memref<80x128xf32, #tpu.memory_space<vmem>>) offsets(%arg12 : memref<80xi32, #tpu.memory_space<vmem>>) semaphore(%arg36 : memref<!tpu.dma_semaphore, #tpu.memory_space<semaphore_mem>>)
    %dma_start3A_359 = arith.constant 0 : i32
    %dma_start3A_360 = arith.constant 0 : i32
    %dma_start3A_361 = tpu.memref_slice %arg7[%dma_start3A_359, %dma_start3A_360] : memref<10000x128xf32, #tpu.memory_space<vmem_shared>> -> memref<10000x128xf32, #tpu.memory_space<vmem_shared>>
    tpu.enqueue_indirect_dma source(%arg25 : memref<80x128xf32, #tpu.memory_space<vmem>>) target(%dma_start3A_361 : memref<10000x128xf32, #tpu.memory_space<vmem_shared>>) offsets(%arg17 : memref<80xi32, #tpu.memory_space<vmem>>) semaphore(%arg41 : memref<!tpu.dma_semaphore, #tpu.memory_space<semaphore_mem>>) {add = true}
    %dma_wait3A_362 = arith.constant 0 : i32
    %dma_wait3A_363 = arith.constant 0 : i32
    %dma_wait3A_364 = tpu.memref_slice %arg2[%dma_wait3A_362, %dma_wait3A_363] : memref<10000x128xf32, #tpu.memory_space<hbm>> -> memref<10000x128xf32, #tpu.memory_space<hbm>>
    tpu.wait_indirect_dma semaphore(%arg38 : memref<!tpu.dma_semaphore, #tpu.memory_space<semaphore_mem>>) src(%dma_wait3A_364 : memref<10000x128xf32, #tpu.memory_space<hbm>>) dst(%arg26 : memref<80x128xf32, #tpu.memory_space<vmem>>)
    %dma_wait3A_365 = arith.constant 0 : i32
    %dma_wait3A_366 = arith.constant 0 : i32
    %dma_wait3A_367 = tpu.memref_slice %arg7[%dma_wait3A_365, %dma_wait3A_366] : memref<10000x128xf32, #tpu.memory_space<vmem_shared>> -> memref<10000x128xf32, #tpu.memory_space<vmem_shared>>
    tpu.wait_indirect_dma semaphore(%arg41 : memref<!tpu.dma_semaphore, #tpu.memory_space<semaphore_mem>>) src(%arg25 : memref<80x128xf32, #tpu.memory_space<vmem>>) dst(%dma_wait3A_367 : memref<10000x128xf32, #tpu.memory_space<vmem_shared>>)
    %dma_start3A_368 = arith.constant 0 : i32
    %dma_start3A_369 = arith.constant 0 : i32
    %dma_start3A_370 = tpu.memref_slice %arg7[%dma_start3A_368, %dma_start3A_369] : memref<10000x128xf32, #tpu.memory_space<vmem_shared>> -> memref<10000x128xf32, #tpu.memory_space<vmem_shared>>
    tpu.enqueue_indirect_dma source(%arg26 : memref<80x128xf32, #tpu.memory_space<vmem>>) target(%dma_start3A_370 : memref<10000x128xf32, #tpu.memory_space<vmem_shared>>) offsets(%arg18 : memref<80xi32, #tpu.memory_space<vmem>>) semaphore(%arg42 : memref<!tpu.dma_semaphore, #tpu.memory_space<semaphore_mem>>) {add = true}
    %dma_wait3A_371 = arith.constant 0 : i32
    %dma_wait3A_372 = arith.constant 0 : i32
    %dma_wait3A_373 = tpu.memref_slice %arg2[%dma_wait3A_371, %dma_wait3A_372] : memref<10000x128xf32, #tpu.memory_space<hbm>> -> memref<10000x128xf32, #tpu.memory_space<hbm>>
    tpu.wait_indirect_dma semaphore(%arg39 : memref<!tpu.dma_semaphore, #tpu.memory_space<semaphore_mem>>) src(%dma_wait3A_373 : memref<10000x128xf32, #tpu.memory_space<hbm>>) dst(%arg27 : memref<80x128xf32, #tpu.memory_space<vmem>>)
    %dma_wait3A_374 = arith.constant 0 : i32
    %dma_wait3A_375 = arith.constant 0 : i32
    %dma_wait3A_376 = tpu.memref_slice %arg7[%dma_wait3A_374, %dma_wait3A_375] : memref<10000x128xf32, #tpu.memory_space<vmem_shared>> -> memref<10000x128xf32, #tpu.memory_space<vmem_shared>>
    tpu.wait_indirect_dma semaphore(%arg42 : memref<!tpu.dma_semaphore, #tpu.memory_space<semaphore_mem>>) src(%arg26 : memref<80x128xf32, #tpu.memory_space<vmem>>) dst(%dma_wait3A_376 : memref<10000x128xf32, #tpu.memory_space<vmem_shared>>)
    %dma_start3A_377 = arith.constant 0 : i32
    %dma_start3A_378 = arith.constant 0 : i32
    %dma_start3A_379 = tpu.memref_slice %arg7[%dma_start3A_377, %dma_start3A_378] : memref<10000x128xf32, #tpu.memory_space<vmem_shared>> -> memref<10000x128xf32, #tpu.memory_space<vmem_shared>>
    tpu.enqueue_indirect_dma source(%arg27 : memref<80x128xf32, #tpu.memory_space<vmem>>) target(%dma_start3A_379 : memref<10000x128xf32, #tpu.memory_space<vmem_shared>>) offsets(%arg19 : memref<80xi32, #tpu.memory_space<vmem>>) semaphore(%arg43 : memref<!tpu.dma_semaphore, #tpu.memory_space<semaphore_mem>>) {add = true}
    %dma_wait3A_380 = arith.constant 0 : i32
    %dma_wait3A_381 = arith.constant 0 : i32
    %dma_wait3A_382 = tpu.memref_slice %arg2[%dma_wait3A_380, %dma_wait3A_381] : memref<10000x128xf32, #tpu.memory_space<hbm>> -> memref<10000x128xf32, #tpu.memory_space<hbm>>
    tpu.wait_indirect_dma semaphore(%arg36 : memref<!tpu.dma_semaphore, #tpu.memory_space<semaphore_mem>>) src(%dma_wait3A_382 : memref<10000x128xf32, #tpu.memory_space<hbm>>) dst(%arg24 : memref<80x128xf32, #tpu.memory_space<vmem>>)
    %dma_wait3A_383 = arith.constant 0 : i32
    %dma_wait3A_384 = arith.constant 0 : i32
    %dma_wait3A_385 = tpu.memref_slice %arg7[%dma_wait3A_383, %dma_wait3A_384] : memref<10000x128xf32, #tpu.memory_space<vmem_shared>> -> memref<10000x128xf32, #tpu.memory_space<vmem_shared>>
    tpu.wait_indirect_dma semaphore(%arg43 : memref<!tpu.dma_semaphore, #tpu.memory_space<semaphore_mem>>) src(%arg27 : memref<80x128xf32, #tpu.memory_space<vmem>>) dst(%dma_wait3A_385 : memref<10000x128xf32, #tpu.memory_space<vmem_shared>>)
    %dma_start3A_386 = arith.constant 0 : i32
    %dma_start3A_387 = arith.constant 0 : i32
    %dma_start3A_388 = tpu.memref_slice %arg7[%dma_start3A_386, %dma_start3A_387] : memref<10000x128xf32, #tpu.memory_space<vmem_shared>> -> memref<10000x128xf32, #tpu.memory_space<vmem_shared>>
    tpu.enqueue_indirect_dma source(%arg24 : memref<80x128xf32, #tpu.memory_space<vmem>>) target(%dma_start3A_388 : memref<10000x128xf32, #tpu.memory_space<vmem_shared>>) offsets(%arg20 : memref<80xi32, #tpu.memory_space<vmem>>) semaphore(%arg40 : memref<!tpu.dma_semaphore, #tpu.memory_space<semaphore_mem>>) {add = true}
    %dma_wait3A_389 = arith.constant 0 : i32
    %dma_wait3A_390 = arith.constant 0 : i32
    %dma_wait3A_391 = tpu.memref_slice %arg7[%dma_wait3A_389, %dma_wait3A_390] : memref<10000x128xf32, #tpu.memory_space<vmem_shared>> -> memref<10000x128xf32, #tpu.memory_space<vmem_shared>>
    tpu.wait_indirect_dma semaphore(%arg40 : memref<!tpu.dma_semaphore, #tpu.memory_space<semaphore_mem>>) src(%arg24 : memref<80x128xf32, #tpu.memory_space<vmem>>) dst(%dma_wait3A_391 : memref<10000x128xf32, #tpu.memory_space<vmem_shared>>)
    %barrier3A_392 = arith.constant 0 : index
    tpu.barrier barrier_id(%barrier3A_392)
    %mul3A_393 = arith.constant 624 : i32
    %mul3A_394 = arith.muli %arg1, %mul3A_393 : i32
    %mul3A_395 = arith.constant 624 : i32
    %mul3A_396 = arith.muli %arg1, %mul3A_395 : i32
    "tpu.region"() ({
      %run_scoped3A = tpu.sem_alloc : memref<!tpu.dma_semaphore, #tpu.memory_space<semaphore_mem>>
      %dma_start3A_402 = arith.constant 0 : i32
      %dma_start3A_403 = tpu.memref_slice %arg6[%arg0, %mul3A_396, %dma_start3A_402] : memref<2x10000x128xf32, #tpu.memory_space<hbm>> -> memref<1x624x128xf32, #tpu.memory_space<hbm>>
      %dma_start3A_404 = tpu.memref_squeeze %dma_start3A_403 : memref<1x624x128xf32, #tpu.memory_space<hbm>> -> memref<624x128xf32, #tpu.memory_space<hbm>>
      %dma_start3A_405 = arith.constant 0 : i32
      %dma_start3A_406 = tpu.memref_slice %arg7[%mul3A_394, %dma_start3A_405] : memref<10000x128xf32, #tpu.memory_space<vmem_shared>> -> memref<624x128xf32, #tpu.memory_space<vmem_shared>>
      tpu.enqueue_dma source(%dma_start3A_406 : memref<624x128xf32, #tpu.memory_space<vmem_shared>>) target(%dma_start3A_404 : memref<624x128xf32, #tpu.memory_space<hbm>>) target_semaphore(%run_scoped3A : memref<!tpu.dma_semaphore, #tpu.memory_space<semaphore_mem>>)
      %dma_wait3A_407 = arith.constant 0 : i32
      %dma_wait3A_408 = tpu.memref_slice %arg6[%arg0, %mul3A_396, %dma_wait3A_407] : memref<2x10000x128xf32, #tpu.memory_space<hbm>> -> memref<1x624x128xf32, #tpu.memory_space<hbm>>
      %dma_wait3A_409 = tpu.memref_squeeze %dma_wait3A_408 : memref<1x624x128xf32, #tpu.memory_space<hbm>> -> memref<624x128xf32, #tpu.memory_space<hbm>>
      %dma_wait3A_410 = arith.constant 0 : i32
      %dma_wait3A_411 = tpu.memref_slice %arg7[%mul3A_394, %dma_wait3A_410] : memref<10000x128xf32, #tpu.memory_space<vmem_shared>> -> memref<624x128xf32, #tpu.memory_space<vmem_shared>>
      tpu.wait_dma2 semaphore(%run_scoped3A : memref<!tpu.dma_semaphore, #tpu.memory_space<semaphore_mem>>) src(%dma_wait3A_411 : memref<624x128xf32, #tpu.memory_space<vmem_shared>>) dst(%dma_wait3A_409 : memref<624x128xf32, #tpu.memory_space<hbm>>)
      tpu.yield
    }) : () -> ()
    %eq3A_397 = arith.constant 0 : i32
    %eq3A_398 = arith.cmpi eq, %arg1, %eq3A_397 : i32
    %convert_element_type3A_399 = arith.extui %eq3A_398 : i1 to i32
    %cond3A_400 = arith.constant 0 : i32
    %cond3A_401 = arith.cmpi ne, %convert_element_type3A_399, %cond3A_400 : i32
    scf.if %cond3A_401 {
      "tpu.region"() ({
        %run_scoped3A = tpu.sem_alloc : memref<!tpu.dma_semaphore, #tpu.memory_space<semaphore_mem>>
        %dma_start3A_402 = arith.constant 9984 : i32
        %dma_start3A_403 = arith.constant 0 : i32
        %dma_start3A_404 = tpu.memref_slice %arg6[%arg0, %dma_start3A_402, %dma_start3A_403] : memref<2x10000x128xf32, #tpu.memory_space<hbm>> -> memref<1x16x128xf32, #tpu.memory_space<hbm>>
        %dma_start3A_405 = tpu.memref_squeeze %dma_start3A_404 : memref<1x16x128xf32, #tpu.memory_space<hbm>> -> memref<16x128xf32, #tpu.memory_space<hbm>>
        %dma_start3A_406 = arith.constant 9984 : i32
        %dma_start3A_407 = arith.constant 0 : i32
        %dma_start3A_408 = tpu.memref_slice %arg7[%dma_start3A_406, %dma_start3A_407] : memref<10000x128xf32, #tpu.memory_space<vmem_shared>> -> memref<16x128xf32, #tpu.memory_space<vmem_shared>>
        tpu.enqueue_dma source(%dma_start3A_408 : memref<16x128xf32, #tpu.memory_space<vmem_shared>>) target(%dma_start3A_405 : memref<16x128xf32, #tpu.memory_space<hbm>>) target_semaphore(%run_scoped3A : memref<!tpu.dma_semaphore, #tpu.memory_space<semaphore_mem>>)
        %dma_wait3A_409 = arith.constant 9984 : i32
        %dma_wait3A_410 = arith.constant 0 : i32
        %dma_wait3A_411 = tpu.memref_slice %arg6[%arg0, %dma_wait3A_409, %dma_wait3A_410] : memref<2x10000x128xf32, #tpu.memory_space<hbm>> -> memref<1x16x128xf32, #tpu.memory_space<hbm>>
        %dma_wait3A_412 = tpu.memref_squeeze %dma_wait3A_411 : memref<1x16x128xf32, #tpu.memory_space<hbm>> -> memref<16x128xf32, #tpu.memory_space<hbm>>
        %dma_wait3A_413 = arith.constant 9984 : i32
        %dma_wait3A_414 = arith.constant 0 : i32
        %dma_wait3A_415 = tpu.memref_slice %arg7[%dma_wait3A_413, %dma_wait3A_414] : memref<10000x128xf32, #tpu.memory_space<vmem_shared>> -> memref<16x128xf32, #tpu.memory_space<vmem_shared>>
        tpu.wait_dma2 semaphore(%run_scoped3A : memref<!tpu.dma_semaphore, #tpu.memory_space<semaphore_mem>>) src(%dma_wait3A_415 : memref<16x128xf32, #tpu.memory_space<vmem_shared>>) dst(%dma_wait3A_412 : memref<16x128xf32, #tpu.memory_space<hbm>>)
        tpu.yield
      }) : () -> ()
    } else {
    }
    return
  }
}

module attributes {stable_mosaic.version = 14 : i64} {
  func.func @body(%arg0: i32, %arg1: memref<2x2000x128xf32, #tpu.memory_space<vmem>>, %arg2: memref<2000x128xf32, #tpu.memory_space<vmem>>) attributes {dimension_semantics = [#tpu.dimension_semantics<arbitrary>], iteration_bounds = array<i64: 5>, scalar_prefetch = 0 : i64, scratch_operands = 0 : i64, tpu.core_type = #tpu.core_type<tc>, window_params = [{transform_indices = @transform_0, window_bounds = array<i64: 2, 2000, 128>}, {transform_indices = @transform_1, window_bounds = array<i64: 2000, 128>}]} {
    %get3A = arith.constant 0 : index
    %get3A_0 = arith.constant 0 : index
    %get3A_1 = arith.constant 0 : index
    %get3A_2 = vector.load %arg1[%get3A, %get3A_0, %get3A_1] : memref<2x2000x128xf32, #tpu.memory_space<vmem>>, vector<1x2000x128xf32>
    %get3A_3 = vector.shape_cast %get3A_2 : vector<1x2000x128xf32> to vector<2000x128xf32>
    %get3A_4 = arith.constant 1 : index
    %get3A_5 = arith.constant 0 : index
    %get3A_6 = arith.constant 0 : index
    %get3A_7 = vector.load %arg1[%get3A_4, %get3A_5, %get3A_6] : memref<2x2000x128xf32, #tpu.memory_space<vmem>>, vector<1x2000x128xf32>
    %get3A_8 = vector.shape_cast %get3A_7 : vector<1x2000x128xf32> to vector<2000x128xf32>
    %add3A = arith.addf %get3A_3, %get3A_8 : vector<2000x128xf32>
    %swap3A = arith.constant 0 : index
    %swap3A_9 = arith.constant 0 : index
    %swap3A_10 = vector.load %arg2[%swap3A, %swap3A_9] : memref<2000x128xf32, #tpu.memory_space<vmem>>, vector<2000x128xf32>
    tpu.vector_store %arg2[%swap3A, %swap3A_9], %add3A {strides = array<i32>} : memref<2000x128xf32, #tpu.memory_space<vmem>>, vector<2000x128xf32>,
    return
  }
  func.func @transform_0(%arg0: i32) -> (i32, i32, i32) {
    %c0_i32 = arith.constant 0 : i32
    %c0_i32_0 = arith.constant 0 : i32
    %c0_i32_1 = arith.constant 0 : i32
    return %c0_i32, %arg0, %c0_i32_0 : i32, i32, i32
  }
  func.func @transform_1(%arg0: i32) -> (i32, i32) {
    %c0_i32 = arith.constant 0 : i32
    %c0_i32_0 = arith.constant 0 : i32
    return %arg0, %c0_i32 : i32, i32
  }
}

</mosaic_0001>

<sc_bundles>
// kernel: kernel.4.cloned.1.call-start
scs
__scs_entry_jumppad:
0x0: {  	(pc) =	sbr.rel $0x88, $3  }
0x1: {  	(tag) =	ssettag $0x0;
	lr =	simm.s32 $0x1  }
0x2: {  	[smem:$0x3F9F] =	sst lr;
	_ =	strace $0xD0000000  }
0x3: {  	_ = 	snop  }
0x4: {  	_ = 	snop  }
0x5: {  	_ = 	snop  }
0x6: {  	_ = 	snop  }
0x7: {  	_ = 	snop  }
__scs_overlays_trampoline_lowered:
0x8: {  	[smem:$0x3FAE] =	sst s0  }
0x9: {  	[smem:$0x3FAF] =	sst s1  }
0xa: {  	[smem:$0x3FB0] =	sst s2  }
0xb: {  	[smem:$0x3FB1] =	sst s3  }
0xc: {  	[smem:$0x3FB2] =	sst s4  }
0xd: {  	[smem:$0x3FB3] =	sst s5  }
0xe: {  	[smem:$0x3FB4] =	sst s6  }
0xf: {  	[smem:$0x3FB5] =	sst s7  }
0x10: {  	[smem:$0x3FB6] =	sst s8  }
0x11: {  	[smem:$0x3FB7] =	sst s9;
	s0 =	simm.s32 @!p0 $0x0  }
0x12: {  	s1 =	sld [smem:$0x3F9D];
	s0 =	simm.s32 @p0 $0x1  }
0x13: {  	[smem:$0x3FB8] =	sst s0;
	s0 =	simm.s32 @!p1 $0x0  }
0x14: {  	s2 =	sld [smem:$0x3F9C];
	s0 =	simm.s32 @p1 $0x1  }
0x15: {  	[smem:$0x3FB9] =	sst s0;
	s0 =	simm.s32 @!p2 $0x0  }
0x16: {  	s3 =	sld [smem:$0x3FDB];
	s0 =	simm.s32 @p2 $0x1  }
0x17: {  	s4 =	simm.s32 $0x1BF5;
	[smem:$0x3FBB] =	sst s0  }
0x18: {  	s0 =	sld [smem:$0x3F9E];
	_ =	swait.ge [sflag:s4], $0x0  }
0x19: {  	s7 =	sld [smem:$0x3F9F]  }
0x1a: {  	s8 =	sadd.s32 $0xFFFFE003, lr  }
0x1b: {  	s9 =	sadd.s32 $0xFFFFFEF7, lr;
	s5 =	simm.s32 $0xFFFFFFFF;
	p2 =	slt.u32 s8, $0xFFFFF086  }
0x1c: {  	p1 =	slt.u32 s9, $0xF7A;
	s5 =	simm.s32 @!p2 $0x0  }
0x1d: {  	s5 =	simm.s32 @p1 $0x1;
	p0 =	seq.s32 s7, s2  }
0x1e: {  	s7 =	smul.u32 @!p0 $0xF7A, s2;
	p2 =	seq.s32 @!p0 s5, $0x0  }
0x1f: {  	s9 =	smul.u32 $0xF7A, s1;
	s8 =	simm.s32 @!p0 $0x1BF5;
	p2 =	por !p2, p0  }
0x20: {  	[sflag:s8] =	ssyncset.s32 @!p0 $0xFFFFF086;
	s6 =	sadd.s32 @!p0 s3, s7;
	s7 =	simm.s32 @!p0 $0x108  }
0x21: {  	s3 =	sadd.s32 s3, s9;
	s6 =	sadd.s32 @!p0 $0x88, s6;
	s7 =	simm.s32 @p2 $0x1082  }
0x22: {  	[simem:s7], [sflag:s8] =	dma.local @!p0 [hbm:s6], $0xF7A  }
0x23: {  	s9 =	sor.u32 $0xD0000000, s2;
	s6 =	simm.s32 $0x108;
	_ =	swait.ge @!p0 [sflag:s8], $0x0  }
0x24: {  	s3 =	sadd.s32 $0x88, s3;
	s6 =	simm.s32 @!p1 $0x1082;
	[sflag:s4] =	ssyncset.s32 $0xFFFFF086  }
0x25: {  	[simem:s6], [sflag:s4] =	dma.local [hbm:s3], $0xF7A  }
0x26: {  	[smem:$0x3F9F] =	sst s1;
	(tag) =	ssettag s2;
	_ =	strace s9  }
0x27: {  	s1 =	sld [smem:$0x3FAF]  }
0x28: {  	s2 =	sld [smem:$0x3FB0]  }
0x29: {  	s4 =	sld [smem:$0x3FB2]  }
0x2a: {  	p0 =	seq.s32 s5, $0x0;
	s5 =	sld [smem:$0x3FB3]  }
0x2b: {  	s6 =	sld [smem:$0x3FB4]  }
0x2c: {  	s7 =	sld [smem:$0x3FB5]  }
0x2d: {  	s3 =	simm.s32 $0x108;
	s8 =	sld [smem:$0x3FB6]  }
0x2e: {  	s3 =	simm.s32 @!p0 $0x1082;
	s9 =	sld [smem:$0x3FB7]  }
0x2f: {  	lr =	sadd.s32 s0, s3;
	s0 =	sld [smem:$0x3FAE]  }
0x30: {  	s3 =	sld [smem:$0x3FB1]  }
0x31: {  	[smem:$0x3FBA] =	sst s10  }
0x32: {  	s10 =	sld [smem:$0x3FB8];
	_ =	sdelay $0x3  }
0x33: {  	p0 =	seq.s32 s10, $0x1;
	s10 =	sld [smem:$0x3FBA];
	_ =	sdelay $0x3  }
0x34: {  	[smem:$0x3FBA] =	sst s10  }
0x35: {  	s10 =	sld [smem:$0x3FB9];
	_ =	sdelay $0x3  }
0x36: {  	p1 =	seq.s32 s10, $0x1;
	s10 =	sld [smem:$0x3FBA];
	_ =	sdelay $0x3  }
0x37: {  	[smem:$0x3FBA] =	sst s10  }
0x38: {  	s10 =	sld [smem:$0x3FBB]  }
0x39: {  	_ = 	snop;
	(pc) =	sbr.ind lr, $3  }
0x3a: {  	_ = 	snop  }
0x3b: {  	_ = 	snop  }
0x3c: {  	p2 =	seq.s32 s10, $0x1;
	s10 =	sld [smem:$0x3FBA]  }
0x3d: {  	_ =	shalt  }
0x3e: {  	_ =	shalt  }
0x3f: {  	_ =	shalt  }
0x40: {  	_ =	shalt  }
0x41: {  	_ =	shalt  }
0x42: {  	_ =	shalt  }
0x43: {  	_ =	shalt  }
0x44: {  	_ =	shalt  }
0x45: {  	_ =	shalt  }
0x46: {  	_ =	shalt  }
0x47: {  	_ =	shalt  }
0x48: {  	_ =	shalt  }
0x49: {  	_ =	shalt  }
0x4a: {  	_ =	shalt  }
0x4b: {  	_ =	shalt  }
0x4c: {  	_ =	shalt  }
0x4d: {  	_ =	shalt  }
0x4e: {  	_ =	shalt  }
0x4f: {  	_ =	shalt  }
0x50: {  	_ =	shalt  }
0x51: {  	_ =	shalt  }
0x52: {  	_ =	shalt  }
0x53: {  	_ =	shalt  }
0x54: {  	_ =	shalt  }
0x55: {  	_ =	shalt  }
0x56: {  	_ =	shalt  }
0x57: {  	_ =	shalt  }
0x58: {  	_ =	shalt  }
0x59: {  	_ =	shalt  }
0x5a: {  	_ =	shalt  }
0x5b: {  	_ =	shalt  }
0x5c: {  	_ =	shalt  }
0x5d: {  	_ =	shalt  }
0x5e: {  	_ =	shalt  }
0x5f: {  	_ =	shalt  }
0x60: {  	_ =	shalt  }
0x61: {  	_ =	shalt  }
0x62: {  	_ =	shalt  }
0x63: {  	_ =	shalt  }
0x64: {  	_ =	shalt  }
0x65: {  	_ =	shalt  }
0x66: {  	_ =	shalt  }
0x67: {  	_ =	shalt  }
0x68: {  	_ =	shalt  }
0x69: {  	_ =	shalt  }
0x6a: {  	_ =	shalt  }
0x6b: {  	_ =	shalt  }
0x6c: {  	_ =	shalt  }
0x6d: {  	_ =	shalt  }
0x6e: {  	_ =	shalt  }
0x6f: {  	_ =	shalt  }
0x70: {  	_ =	shalt  }
0x71: {  	_ =	shalt  }
0x72: {  	_ =	shalt  }
0x73: {  	_ =	shalt  }
0x74: {  	_ =	shalt  }
0x75: {  	_ =	shalt  }
0x76: {  	_ =	shalt  }
0x77: {  	_ =	shalt  }
0x78: {  	_ =	shalt  }
0x79: {  	_ =	shalt  }
0x7a: {  	_ =	shalt  }
0x7b: {  	_ =	shalt  }
0x7c: {  	_ =	shalt  }
0x7d: {  	_ =	shalt  }
0x7e: {  	_ =	shalt  }
0x7f: {  	_ =	shalt  }
0x80: {  	_ =	shalt  }
0x81: {  	_ =	shalt  }
0x82: {  	_ =	shalt  }
0x83: {  	_ =	shalt  }
0x84: {  	_ =	shalt  }
0x85: {  	_ =	shalt  }
0x86: {  	_ =	shalt  }
0x87: {  	_ =	shalt  }
.Lfunc_end0:
.L_simem_size_0:
called_computation_lowered:
.L_overlay_start_0:
0x88: {  	s2 =	sld [smem:$0x3FD9]  }
0x89: {  	s3 =	sld [smem:$0x3FFE];
	_ =	sdelay $0x1  }
0x8a: {  	s1 =	srdreg.scid  }
0x8b: {  	s0 =	sand.u32 $0x1, s1  }
0x8c: {  	s17 =	sshll.u32 s0, $0xA;
	s2 =	sadd.s32 s3, s2  }
0x8d: {  	s2 =	sadd.s32 s2, s17  }
0x8e: {  	[smem:$0x3FC6] =	sst s2  }
0x8f: {  	_ = 	snop  }
0x90: {  	s2 =	sld [smem:$0x3FC9]  }
0x91: {  	s18 =	sld [smem:$0x3FD0];
	(tm) =	ssettm $0x1  }
0x92: {  	s4 =	sld [smem:$0x3FFB];
	_ =	sdelay $0x3  }
0x93: {  	_ =	strace s4  }
0x94: {  	s4 =	sld [smem:$0x3FFC];
	_ =	sdelay $0x3  }
0x95: {  	_ =	strace s4  }
0x96: {  	s4 =	sld [smem:$0x3FFD];
	_ =	sdelay $0x3  }
0x97: {  	_ =	strace s4  }
0x98: {  	_ =	strace $0x8FFFFFFF  }
0x99: {  	s19 =	sld [smem:$0x3FDB];
	_ =	sdelay $0x1  }
0x9a: {  	s5 =	simm.s32 $_scs_section_size  }
0x9b: {  	s6 =	simm.s32 $_size__tile_overlayer_lowered;
	s7 =	simm.s32 $_tile_overlayer_lowered  }
0x9c: {  	s22 =	simm.s32 $0x1BFF;
	s21 =	sshll.u32 s7, $0x1;
	s4 =	sadd.s32 s5, s19  }
0x9d: {  	s8 =	simm.s32 $0x0;
	s20 =	sshll.u32 s6, $0x1;
	s6 =	sadd.s32 s21, s4  }
0x9e: {  	[timem:s8], [sflag:s22] =	dma.local [hbm:s6], s20  }
0x9f: {  	_ =	swait.ge [sflag:s22], s20  }
0xa0: {  	s5 =	ssub.s32 $0x0, s20;
	[sflag:s22] =	ssyncset.done $0x0  }
0xa1: {  	[sflag:s22] =	ssyncadd.s32 s5;
	_ =	sdelay $0x1  }
0xa2: {  	s23 =	simm.s32 $0x1B8B  }
0xa3: {  	_ =	swait.ge [sflag:s23], $0x1  }
0xa4: {  	[sflag:s23] =	ssyncset.done $0x0  }
0xa5: {  	s25 =	simm.s32 $0x1B8E;
	s24 =	sld [smem:$0x3FFE];
	[sflag:s23] =	ssyncadd.s32 $0xFFFFFFFF  }
0xa6: {  	s26 =	simm.s32 $execute0_lowered;
	[smem:$0x3FD2] =	sst s25  }
0xa7: {  	s6 =	sshll.u32 s26, $0x1;
	_ =	strace $0x80000046;
	[dreg:$0x1] =	wrdreg $0xFFFFFFFF  }
0xa8: {  	s28 =	simm.s32 $_size_execute0_lowered;
	s4 =	sadd.s32 s4, s6;
	[dreg:$0x0] =	wrdreg $0x0  }
0xa9: {  	s6 =	sshll.u32 s28, $0x1;
	[dreg:$0x2] =	wrdreg s4  }
0xaa: {  	[dreg:$0x3] =	wrdreg s6  }
0xab: {  	[dreg:$0x4] =	wrdreg $0xC0  }
0xac: {  	_ =	task [dreg:s8], $0x5FFFF  }
0xad: {  	[dreg:$0x1] =	wrdreg $0xFFFFFFFF  }
0xae: {  	[dreg:$0x0] =	wrdreg $0x60  }
0xaf: {  	[dreg:$0x2] =	wrdreg s2  }
0xb0: {  	[dreg:$0x3] =	wrdreg s24  }
0xb1: {  	[dreg:$0x4] =	wrdreg s18  }
0xb2: {  	[dreg:$0x5] =	wrdreg $0x0  }
0xb3: {  	[dreg:$0x6] =	wrdreg $0x9  }
0xb4: {  	_ =	task.clear_ibuf [dreg:s8], $0x7FFFF;
	_ =	strace $0x90000046  }
0xb5: {  	s29 =	simm.s32 $0x9;
	_ =	strace $0x80000048  }
0xb6: {  	_ =	swait.ge [sflag:s29], $0x1  }
0xb7: {  	[sflag:s29] =	ssyncadd.s32 $0xFFFFFFFF  }
0xb8: {  	_ =	strace $0x90000048  }
0xb9: {  	_ =	sfence  }
0xba: {  	s30 =	sld [smem:$0x0];
	_ =	sdelay $0x2  }
0xbb: {  	s31 =	sshll.u32 s1, $0xD;
	s1 =	sshrl.u32 s1, $0x2  }
0xbc: {  	s3 =	sand.u32 $0x4000, s31;
	s1 =	sadd.s32 s1, s30  }
0xbd: {  	s0 =	sor.u32 s3, s0;
	s1 =	sshll.u32 s1, $0x11  }
0xbe: {  	s0 =	sor.u32 s1, s0  }
0xbf: {  	s0 =	sadd.s32 $0x8F2B, s0  }
0xc0: {  	[sflag:s0] =	ssyncadd.remote.s32 $0x1  }
0xc1: {  	_ =	sfence.sel $0xFFFF  }
0xc2: {  	[dreg:$0x0] =	wrdreg $0xFFFFFFFF;
	(pc) =	sbr.abs _section_cstart, $3  }
0xc3: {  	[dreg:$0x1] =	wrdreg $0xFFFFFFFF  }
0xc4: {  	_ =	task.clear_ibuf [dreg:s8], $0x2FFFF;
	_ =	strace $0x9FFFFFFF  }
0xc5: {  	(tm) =	ssettm $0x7FFFFFFF  }
tec
execute0_lowered:
.L_overlay_start_1:
0x0: {  	(tag) =	ssettag $0x1  }
0x1: {  	s5 =	rddreg [dreg:$0x1]  }
0x2: {  	s3 =	srdreg.scid;
	s4 =	stileid.u32  }
0x3: {  	s1 =	rddreg [dreg:$0x2];
	s10 =	sand.u32 $0x1, s3;
	s6 =	sshll.u32 s4, $0x1  }
0x4: {  	s0 =	rddreg [dreg:$0x3];
	s6 =	sor.u32 s10, s6  }
0x5: {  	s3 =	simm.s32 $0x0;
	s7 =	sadd.s32 $0x9E00, s5;
	s6 =	smul.u32 $0x2710, s6  }
0x6: {  	s11 =	sadd.s32 $0x13C00, s5;
	s16 =	smul.u32 $0x4E20, s4;
	s12 =	ssub.s32 $0x2, s10  }
0x7: {  	[smem:$0x7FF] =	sst s3;
	s14 =	sshrl.u32 s12, $0x1;
	s9 =	sshrl.u32 s6, $0x3  }
0x8: {  	_ =	strace $0x80000047;
	s6 =	ssub.s32 s12, s14;
	s13 =	sadd.s32 $0xA, s9  }
0x9: {  	s14 =	smul.u32 $0x2710, s10;
	s17 =	sadd.s32 $0x14, s9;
	s15 =	sadd.s32 s7, s13  }
0xa: {  	s18 =	sadd.s32 $0x1E, s9;
	s13 =	sadd.s32 s5, s13;
	[dreg:$0x15] =	wrdreg s15  }
0xb: {  	s20 =	sadd.s32 $0x28, s9;
	s19 =	sadd.s32 s7, s18;
	[dreg:$0x16] =	wrdreg s13  }
0xc: {  	s12 =	sadd.s32 s14, s16;
	s21 =	sadd.s32 s7, s20;
	[dreg:$0x19] =	wrdreg s19  }
0xd: {  	s23 =	sadd.s32 s5, s20;
	s15 =	sadd.s32 s7, s17;
	[dreg:$0x1b] =	wrdreg s21  }
0xe: {  	s13 =	sadd.s32 s5, s17;
	s22 =	sadd.s32 $0x5F0, s12;
	[dreg:$0x1c] =	wrdreg s23  }
0xf: {  	s16 =	sadd.s32 $0x5A0, s12;
	s28 =	sadd.s32 $0x550, s12;
	[dreg:$0x17] =	wrdreg s15  }
0x10: {  	[dreg:$0x18] =	wrdreg s13;
	s13 =	sadd.s32 s5, s18;
	s25 =	sshrl.u32 s16, $0x3  }
0x11: {  	s17 =	sadd.s32 $0x500, s12;
	[dreg:$0x1a] =	wrdreg s13;
	s26 =	sadd.s32 s25, s5  }
0x12: {  	s2 =	sshrl.u32 s28, $0x3;
	s30 =	sadd.s32 s25, s7;
	[dreg:$0x7] =	wrdreg s26  }
0x13: {  	s21 =	sadd.s32 $0x4B0, s12;
	s16 =	sadd.s32 s2, s5;
	[dreg:$0x8] =	wrdreg s30  }
0x14: {  	s19 =	sshrl.u32 s17, $0x3;
	s18 =	sadd.s32 s2, s7;
	[dreg:$0x9] =	wrdreg s16  }
0x15: {  	s23 =	sshrl.u32 s21, $0x3;
	s20 =	sadd.s32 s19, s5;
	[dreg:$0xa] =	wrdreg s18  }
0x16: {  	s13 =	sshrl.u32 s22, $0x3;
	s22 =	sadd.s32 s19, s7;
	[dreg:$0xb] =	wrdreg s20  }
0x17: {  	s8 =	smul.u32 $0x13800, s4;
	s25 =	sadd.s32 s23, s5;
	[dreg:$0xc] =	wrdreg s22  }
0x18: {  	s14 =	sadd.s32 $0x32, s9;
	s15 =	sadd.s32 s23, s7;
	[dreg:$0xd] =	wrdreg s25  }
0x19: {  	s10 =	smul.u32 $0x138800, s10;
	s2 =	sadd.s32 s7, s14;
	[dreg:$0xe] =	wrdreg s15  }
0x1a: {  	s17 =	sadd.s32 $0x3C, s9;
	s14 =	sadd.s32 s5, s14;
	[dreg:$0x1e] =	wrdreg s2  }
0x1b: {  	s21 =	sadd.s32 $0x46, s9;
	s19 =	sadd.s32 s7, s17;
	[dreg:$0x1f] =	wrdreg s14  }
0x1c: {  	s23 =	sadd.s32 s7, s21;
	s24 =	sadd.s32 s13, s5;
	[smem:$0x7E6] =	sst s19  }
0x1d: {  	s13 =	sadd.s32 s13, s7;
	s26 =	sadd.s32 $0x460, s12;
	[smem:$0x7E8] =	sst s23  }
0x1e: {  	s30 =	sadd.s32 $0x410, s12;
	s12 =	sadd.s32 $0x3C0, s12;
	[dreg:$0x5] =	wrdreg s24  }
0x1f: {  	s20 =	sadd.s32 s5, s17;
	s22 =	sadd.s32 $0x50, s9;
	[dreg:$0x6] =	wrdreg s13  }
0x20: {  	s15 =	sadd.s32 s7, s9;
	s17 =	sadd.s32 $0x6E, s9;
	[smem:$0x7E7] =	sst s20  }
0x21: {  	s24 =	sadd.s32 s8, s10;
	s25 =	sadd.s32 s5, s22;
	[smem:$0x7F0] =	sst s15  }
0x22: {  	s13 =	sshrl.u32 s26, $0x3;
	s19 =	sadd.s32 s7, s17;
	[smem:$0x7EB] =	sst s25  }
0x23: {  	s10 =	sshrl.u32 s10, $0x3;
	s28 =	sadd.s32 s13, s5;
	[smem:$0x7F2] =	sst s19  }
0x24: {  	s12 =	sshrl.u32 s12, $0x3;
	s13 =	sadd.s32 s13, s7;
	[dreg:$0xf] =	wrdreg s28  }
0x25: {  	s26 =	sadd.s32 $0x5A, s9;
	s18 =	sadd.s32 s12, s5;
	[dreg:$0x10] =	wrdreg s13  }
0x26: {  	s16 =	sshrl.u32 s24, $0x3;
	s24 =	sadd.s32 s7, s22;
	[dreg:$0x13] =	wrdreg s18  }
0x27: {  	s10 =	sadd.s32 s11, s10;
	s16 =	sadd.s32 s11, s16;
	[smem:$0x7EA] =	sst s24  }
0x28: {  	s11 =	sshrl.u32 s30, $0x3;
	s30 =	sadd.s32 s7, s26;
	[dreg:$0x1d] =	wrdreg s16  }
0x29: {  	p0 =	sne.s32 s4, $0x0;
	s25 =	sadd.s32 $0x27000, s10;
	[smem:$0x7EC] =	sst s30  }
0x2a: {  	s18 =	smul.u32 $0x4E000, s4;
	s4 =	sshll.u32 s4, $0x6;
	[smem:$0x7F9] =	sst s25  }
0x2b: {  	s16 =	sadd.s32 s11, s5;
	[smem:$0x7FB] =	sst s4  }
0x2c: {  	s28 =	sadd.s32 $0x64, s9;
	s11 =	sadd.s32 s11, s7;
	[dreg:$0x11] =	wrdreg s16  }
0x2d: {  	s2 =	sadd.s32 s7, s28;
	[dreg:$0x12] =	wrdreg s11  }
0x2e: {  	s29 =	simm.s32 $0x13C00;
	s14 =	sadd.s32 s5, s28;
	[smem:$0x7EE] =	sst s2  }
0x2f: {  	s31 =	simm.s32 $0x14000;
	s28 =	sor.u32 $0x1C11, s4;
	[smem:$0x7EF] =	sst s14  }
0x30: {  	s15 =	simm.s32 $0x7;
	s30 =	sadd.s32 $0x138000, s0;
	[smem:$0x7FC] =	sst s28  }
0x31: {  	s19 =	simm.s32 $0x1;
	s11 =	sadd.s32 s5, s21;
	[smem:$0x7FD] =	sst s30  }
0x32: {  	s24 =	sshrl.u32 s8, $0x3;
	s16 =	sadd.s32 s5, s9;
	[smem:$0x7E9] =	sst s11  }
0x33: {  	s13 =	simm.s32 $0x13B80;
	s21 =	sadd.s32 s12, s7;
	[smem:$0x7F1] =	sst s16  }
0x34: {  	s9 =	sadd.s32 $0x4D8, s9;
	s11 =	sadd.s32 s5, s26;
	[dreg:$0x14] =	wrdreg s21  }
0x35: {  	s22 =	sshrl.u32 s18, $0x2;
	s20 =	sadd.s32 s7, s9;
	[smem:$0x7ED] =	sst s11  }
0x36: {  	s25 =	simm.s32 $0x13880;
	s23 =	sadd.s32 s22, s0;
	[smem:$0x7F5] =	sst s20  }
0x37: {  	s26 =	smax.u32 s6, $0x1;
	s16 =	simm.s32 $0x13900;
	[smem:$0x7F6] =	sst s23  }
0x38: {  	s21 =	simm.s32 $0x13980;
	s11 =	sadd.s32 s5, s17;
	[smem:$0x7FA] =	sst s26  }
0x39: {  	s22 =	simm.s32 $0x2;
	s5 =	sadd.s32 s5, s9;
	[smem:$0x7F3] =	sst s11  }
0x3a: {  	s0 =	simm.s32 $0x0;
	[smem:$0x7F4] =	sst s5;
	s5 =	sadd.s32 s1, s24  }
0x3b: {  	s20 =	simm.s32 $0x50;
	s1 =	sadd.s32 $0x27000, s1;
	[smem:$0x7F7] =	sst s5  }
0x3c: {  	s9 =	simm.s32 $0x6;
	s24 =	simm.s32 $0x3;
	[smem:$0x7F8] =	sst s1  }
.LBB2_1:
0x3d: {  	s1 =	sld [smem:$0x7F6]  }
0x3e: {  	s7 =	sld [smem:$0x7F7]  }
0x3f: {  	s8 =	sld [smem:$0x7FC]  }
0x40: {  	[smem:$0x7E3] =	sst s0;
	s6 =	sshrl.u32 s1, $0x3  }
0x41: {  	[smem:$0x7E4] =	sst s6  }
0x42: {  	[spmem:s6], [sflag:s8] =	dma.local [hbm:s7], $0x2700  }
0x43: {  	s1 =	sld [smem:$0x7FD];
	_ =	sdelay $0x2  }
0x44: {  	s0 =	sshrl.u32 @!p0 s1, $0x3;
	s1 =	sld [smem:$0x7F8];
	_ =	sdelay $0x1  }
0x45: {  	[smem:$0x7E5] =	sst s0  }
0x46: {  	[spmem:s0], [sflag:s8] =	dma.local @!p0 [hbm:s1], $0x100  }
0x47: {  	s1 =	sld [smem:$0x7F0];
	_ =	sdelay $0x1  }
0x48: {  	s8 =	sld [smem:$0x7F1]  }
0x49: {  	[tilespmem:s25], [sflag:$0x1] =	stream.linear.gather [hbm4b:s1+s3], $0x50, $0x38;
	[tilespmem:$0x1E080] =	vst v63  }
0x4a: {  	s10 =	simm.s32 $0x13C80  }
0x4b: {  	[tilespmem:s10], [sflag:$0x1] =	stream.linear.gather [hbm4b:s8+s3], $0x50, $0x38;
	[tilespmem:$0x1E080] =	vst v63  }
0x4c: {  	s11 =	rddreg [dreg:$0x15]  }
0x4d: {  	[tilespmem:s16], [sflag:$0x2] =	stream.linear.gather [hbm4b:s11+s3], $0x50, $0x38;
	[tilespmem:$0x1E080] =	vst v63  }
0x4e: {  	s14 =	simm.s32 $0x13D00;
	s12 =	rddreg [dreg:$0x16]  }
0x4f: {  	[tilespmem:s14], [sflag:$0x2] =	stream.linear.gather [hbm4b:s12+s3], $0x50, $0x38;
	[tilespmem:$0x1E080] =	vst v63  }
0x50: {  	s17 =	rddreg [dreg:$0x17]  }
0x51: {  	[tilespmem:s21], [sflag:$0x3] =	stream.linear.gather [hbm4b:s17+s3], $0x50, $0x38;
	[tilespmem:$0x1E080] =	vst v63  }
0x52: {  	s23 =	simm.s32 $0x13D80;
	s18 =	rddreg [dreg:$0x18]  }
0x53: {  	[tilespmem:s23], [sflag:$0x3] =	stream.linear.gather [hbm4b:s18+s3], $0x50, $0x38;
	[tilespmem:$0x1E080] =	vst v63  }
0x54: {  	s30 =	simm.s32 $0x13A00;
	s26 =	rddreg [dreg:$0x19]  }
0x55: {  	[tilespmem:s30], [sflag:$0x4] =	stream.linear.gather [hbm4b:s26+s3], $0x50, $0x38;
	[tilespmem:$0x1E080] =	vst v63  }
0x56: {  	s4 =	simm.s32 $0x13E00;
	s0 =	rddreg [dreg:$0x1a]  }
0x57: {  	[tilespmem:s4], [sflag:$0x4] =	stream.linear.gather [hbm4b:s0+s3], $0x50, $0x38;
	[tilespmem:$0x1E080] =	vst v63  }
0x58: {  	_ =	swait.ge [sflag:s19], $0x50  }
0x59: {  	[sflag:s19] =	ssyncset.done $0x0  }
0x5a: {  	[sflag:s19] =	ssyncadd.s32 $0xFFFFFFB0  }
0x5b: {  	_ =	swait.ge [sflag:s19], $0x50  }
0x5c: {  	[sflag:s19] =	ssyncset.done $0x0  }
0x5d: {  	[sflag:s19] =	ssyncadd.s32 $0xFFFFFFB0  }
0x5e: {  	s30 =	simm.s32 $0x14080;
	s0 =	rddreg [dreg:$0x0]  }
0x5f: {  	[tilespmem:s30], [sflag:$0x9] =	stream.indirect.gather [hbm4b:s0+s20], $0x80, s25, s20, $0xb8;
	[tilespmem:$0x1E080] =	vst v63  }
0x60: {  	_ =	swait.ge [sflag:s22], $0x50  }
0x61: {  	[sflag:s22] =	ssyncset.done $0x0  }
0x62: {  	[sflag:s22] =	ssyncadd.s32 $0xFFFFFFB0  }
0x63: {  	_ =	swait.ge [sflag:s22], $0x50  }
0x64: {  	[sflag:s22] =	ssyncset.done $0x0  }
0x65: {  	s12 =	simm.s32 $0x16880;
	[sflag:s22] =	ssyncadd.s32 $0xFFFFFFB0  }
0x66: {  	[tilespmem:s12], [sflag:$0xA] =	stream.indirect.gather [hbm4b:s0+s20], $0x80, s16, s20, $0xb8;
	[tilespmem:$0x1E080] =	vst v63  }
0x67: {  	_ =	swait.ge [sflag:s24], $0x50  }
0x68: {  	[sflag:s24] =	ssyncset.done $0x0  }
0x69: {  	[sflag:s24] =	ssyncadd.s32 $0xFFFFFFB0  }
0x6a: {  	_ =	swait.ge [sflag:s24], $0x50  }
0x6b: {  	[sflag:s24] =	ssyncset.done $0x0  }
0x6c: {  	s7 =	simm.s32 $0x19080;
	s8 =	simm.s32 $0x11;
	[sflag:s24] =	ssyncadd.s32 $0xFFFFFFB0  }
0x6d: {  	[tilespmem:s7], [sflag:$0xB] =	stream.indirect.gather [hbm4b:s0+s20], $0x80, s21, s20, $0xb8;
	[tilespmem:$0x1E080] =	vst v63  }
0x6e: {  	_ =	swait.ge [sflag:s8], $0x2700  }
0x6f: {  	[sflag:s8] =	ssyncset.done $0x0  }
0x70: {  	s1 =	simm.s32 @!p0 $0x11;
	[sflag:s8] =	ssyncadd.s32 $0xFFFFD900  }
0x71: {  	_ =	swait.ge @!p0 [sflag:s1], $0x100  }
0x72: {  	[sflag:s1] =	ssyncset.done @!p0 $0x0  }
0x73: {  	[sflag:s1] =	ssyncadd.s32 @!p0 $0xFFFFFF00  }
0x74: {  	s4 =	simm.s32 $0x9;
	[bflag:$0x0] =	sbarrier.arrive $0xFFFF  }
0x75: {  	_ =	swait.ge [sflag:s4], $0x2800  }
0x76: {  	[sflag:s4] =	ssyncset.done $0x0  }
0x77: {  	s8 =	simm.s32 $0x4;
	[sflag:s4] =	ssyncadd.s32 $0xFFFFD800  }
0x78: {  	_ =	swait.ge [sflag:s8], $0x50  }
0x79: {  	[sflag:s8] =	ssyncset.done $0x0  }
0x7a: {  	[sflag:s8] =	ssyncadd.s32 $0xFFFFFFB0  }
0x7b: {  	_ =	swait.ge [sflag:s8], $0x50  }
0x7c: {  	[sflag:s8] =	ssyncset.done $0x0  }
0x7d: {  	s2 =	simm.s32 $0x13A00;
	s10 =	simm.s32 $0x1B880;
	[sflag:s8] =	ssyncadd.s32 $0xFFFFFFB0  }
0x7e: {  	[tilespmem:s10], [sflag:$0xC] =	stream.indirect.gather [hbm4b:s0+s20], $0x80, s2, s20, $0xb8;
	[tilespmem:$0x1E080] =	vst v63  }
0x7f: {  	s5 =	simm.s32 $0x13C80;
	s2 =	rddreg [dreg:$0x3]  }
0x80: {  	[spmem:s2] =	stream.indirect.scatter.add.f32 [tilespmem:s30], [sflag:$0xD], $0x80, s5, s20, $0xb8;
	[tilespmem:$0x1E080] =	vst v63  }
0x81: {  	s26 =	simm.s32 $0x13A80;
	s14 =	rddreg [dreg:$0x1b]  }
0x82: {  	[tilespmem:s26], [sflag:$0x5] =	stream.linear.gather [hbm4b:s14+s3], $0x50, $0x38;
	[tilespmem:$0x1E080] =	vst v63  }
0x83: {  	s7 =	simm.s32 $0x13E80;
	s5 =	rddreg [dreg:$0x1c]  }
0x84: {  	[tilespmem:s7], [sflag:$0x5] =	stream.linear.gather [hbm4b:s5+s3], $0x50, $0x38;
	[tilespmem:$0x1E080] =	vst v63  }
0x85: {  	s7 =	simm.s32 $0xA  }
0x86: {  	_ =	swait.ge [sflag:s7], $0x2800  }
0x87: {  	[sflag:s7] =	ssyncset.done $0x0  }
0x88: {  	s5 =	simm.s32 $0xD;
	[sflag:s7] =	ssyncadd.s32 $0xFFFFD800  }
0x89: {  	_ =	swait.ge [sflag:s5], $0x2800  }
0x8a: {  	[sflag:s5] =	ssyncset.done $0x0  }
0x8b: {  	s26 =	simm.s32 $0x5;
	[sflag:s5] =	ssyncadd.s32 $0xFFFFD800  }
0x8c: {  	_ =	swait.ge [sflag:s26], $0x50  }
0x8d: {  	[sflag:s26] =	ssyncset.done $0x0  }
0x8e: {  	[sflag:s26] =	ssyncadd.s32 $0xFFFFFFB0  }
0x8f: {  	_ =	swait.ge [sflag:s26], $0x50  }
0x90: {  	[sflag:s26] =	ssyncset.done $0x0  }
0x91: {  	s10 =	simm.s32 $0x13A80;
	[sflag:s26] =	ssyncadd.s32 $0xFFFFFFB0  }
0x92: {  	[tilespmem:s30], [sflag:$0x9] =	stream.indirect.gather [hbm4b:s0+s20], $0x80, s10, s20, $0xb8;
	[tilespmem:$0x1E080] =	vst v63  }
0x93: {  	s6 =	simm.s32 $0x13D00  }
0x94: {  	[spmem:s2] =	stream.indirect.scatter.add.f32 [tilespmem:s12], [sflag:$0xE], $0x80, s6, s20, $0xb8;
	[tilespmem:$0x1E080] =	vst v63  }
0x95: {  	s14 =	simm.s32 $0x13B00;
	s10 =	rddreg [dreg:$0x1e]  }
0x96: {  	[tilespmem:s14], [sflag:$0x6] =	stream.linear.gather [hbm4b:s10+s3], $0x50, $0x38;
	[tilespmem:$0x1E080] =	vst v63  }
0x97: {  	s6 =	rddreg [dreg:$0x1f];
	s10 =	simm.s32 $0x13F00  }
0x98: {  	[tilespmem:s10], [sflag:$0x6] =	stream.linear.gather [hbm4b:s6+s3], $0x50, $0x38;
	[tilespmem:$0x1E080] =	vst v63  }
0x99: {  	s6 =	simm.s32 $0xB  }
0x9a: {  	_ =	swait.ge [sflag:s6], $0x2800  }
0x9b: {  	[sflag:s6] =	ssyncset.done $0x0  }
0x9c: {  	s10 =	simm.s32 $0xE;
	[sflag:s6] =	ssyncadd.s32 $0xFFFFD800  }
0x9d: {  	_ =	swait.ge [sflag:s10], $0x2800  }
0x9e: {  	[sflag:s10] =	ssyncset.done $0x0  }
0x9f: {  	[sflag:s10] =	ssyncadd.s32 $0xFFFFD800  }
0xa0: {  	_ =	swait.ge [sflag:s9], $0x50  }
0xa1: {  	[sflag:s9] =	ssyncset.done $0x0  }
0xa2: {  	[sflag:s9] =	ssyncadd.s32 $0xFFFFFFB0  }
0xa3: {  	_ =	swait.ge [sflag:s9], $0x50  }
0xa4: {  	[sflag:s9] =	ssyncset.done $0x0  }
0xa5: {  	s14 =	simm.s32 $0x13B00;
	[sflag:s9] =	ssyncadd.s32 $0xFFFFFFB0  }
0xa6: {  	[tilespmem:s12], [sflag:$0xA] =	stream.indirect.gather [hbm4b:s0+s20], $0x80, s14, s20, $0xb8;
	[tilespmem:$0x1E080] =	vst v63  }
0xa7: {  	s11 =	simm.s32 $0x13D80;
	s17 =	simm.s32 $0x19080;
	s14 =	sld [smem:$0x7E6]  }
0xa8: {  	[spmem:s2] =	stream.indirect.scatter.add.f32 [tilespmem:s17], [sflag:$0xF], $0x80, s11, s20, $0xb8;
	[tilespmem:$0x1E080] =	vst v63  }
0xa9: {  	s11 =	sld [smem:$0x7E7]  }
0xaa: {  	[tilespmem:s13], [sflag:$0x7] =	stream.linear.gather [hbm4b:s14+s3], $0x50, $0x38;
	[tilespmem:$0x1E080] =	vst v63  }
0xab: {  	s14 =	simm.s32 $0x13F80  }
0xac: {  	[tilespmem:s14], [sflag:$0x7] =	stream.linear.gather [hbm4b:s11+s3], $0x50, $0x38;
	[tilespmem:$0x1E080] =	vst v63  }
0xad: {  	s11 =	simm.s32 $0xC  }
0xae: {  	_ =	swait.ge [sflag:s11], $0x2800  }
0xaf: {  	[sflag:s11] =	ssyncset.done $0x0  }
0xb0: {  	s14 =	simm.s32 $0xF;
	[sflag:s11] =	ssyncadd.s32 $0xFFFFD800  }
0xb1: {  	_ =	swait.ge [sflag:s14], $0x2800  }
0xb2: {  	[sflag:s14] =	ssyncset.done $0x0  }
0xb3: {  	[sflag:s14] =	ssyncadd.s32 $0xFFFFD800  }
0xb4: {  	_ =	swait.ge [sflag:s15], $0x50  }
0xb5: {  	[sflag:s15] =	ssyncset.done $0x0  }
0xb6: {  	[sflag:s15] =	ssyncadd.s32 $0xFFFFFFB0  }
0xb7: {  	_ =	swait.ge [sflag:s15], $0x50  }
0xb8: {  	[sflag:s15] =	ssyncset.done $0x0  }
0xb9: {  	[sflag:s15] =	ssyncadd.s32 $0xFFFFFFB0  }
0xba: {  	[tilespmem:s17], [sflag:$0xB] =	stream.indirect.gather [hbm4b:s0+s20], $0x80, s13, s20, $0xb8;
	[tilespmem:$0x1E080] =	vst v63  }
0xbb: {  	s28 =	simm.s32 $0x1B880;
	s18 =	simm.s32 $0x13E00  }
0xbc: {  	[spmem:s2] =	stream.indirect.scatter.add.f32 [tilespmem:s28], [sflag:$0x10], $0x80, s18, s20, $0xb8;
	[tilespmem:$0x1E080] =	vst v63  }
0xbd: {  	s18 =	sld [smem:$0x7E8];
	_ =	sdelay $0x2  }
0xbe: {  	[tilespmem:s29], [sflag:$0x8] =	stream.linear.gather [hbm4b:s18+s3], $0x50, $0x38;
	[tilespmem:$0x1E080] =	vst v63  }
0xbf: {  	s18 =	sld [smem:$0x7E9];
	_ =	sdelay $0x2  }
0xc0: {  	[tilespmem:s31], [sflag:$0x8] =	stream.linear.gather [hbm4b:s18+s3], $0x50, $0x38;
	[tilespmem:$0x1E080] =	vst v63  }
0xc1: {  	_ =	swait.ge [sflag:s4], $0x2800  }
0xc2: {  	[sflag:s4] =	ssyncset.done $0x0  }
0xc3: {  	s31 =	simm.s32 $0x10;
	[sflag:s4] =	ssyncadd.s32 $0xFFFFD800  }
0xc4: {  	_ =	swait.ge [sflag:s31], $0x2800  }
0xc5: {  	[sflag:s31] =	ssyncset.done $0x0  }
0xc6: {  	s18 =	simm.s32 $0x8;
	[sflag:s31] =	ssyncadd.s32 $0xFFFFD800  }
0xc7: {  	_ =	swait.ge [sflag:s18], $0x50  }
0xc8: {  	[sflag:s18] =	ssyncset.done $0x0  }
0xc9: {  	[sflag:s18] =	ssyncadd.s32 $0xFFFFFFB0  }
0xca: {  	_ =	swait.ge [sflag:s18], $0x50  }
0xcb: {  	[sflag:s18] =	ssyncset.done $0x0  }
0xcc: {  	[sflag:s18] =	ssyncadd.s32 $0xFFFFFFB0  }
0xcd: {  	[tilespmem:s28], [sflag:$0xC] =	stream.indirect.gather [hbm4b:s0+s20], $0x80, s29, s20, $0xb8;
	[tilespmem:$0x1E080] =	vst v63  }
0xce: {  	s1 =	simm.s32 $0x13E80  }
0xcf: {  	[spmem:s2] =	stream.indirect.scatter.add.f32 [tilespmem:s30], [sflag:$0xD], $0x80, s1, s20, $0xb8;
	[tilespmem:$0x1E080] =	vst v63  }
0xd0: {  	s1 =	sld [smem:$0x7EA];
	_ =	sdelay $0x2  }
0xd1: {  	[tilespmem:s25], [sflag:$0x1] =	stream.linear.gather [hbm4b:s1+s3], $0x50, $0x38;
	[tilespmem:$0x1E080] =	vst v63  }
0xd2: {  	s1 =	sld [smem:$0x7EB];
	_ =	sdelay $0x1  }
0xd3: {  	s23 =	simm.s32 $0x13C80  }
0xd4: {  	[tilespmem:s23], [sflag:$0x1] =	stream.linear.gather [hbm4b:s1+s3], $0x50, $0x38;
	[tilespmem:$0x1E080] =	vst v63  }
0xd5: {  	_ =	swait.ge [sflag:s7], $0x2800  }
0xd6: {  	[sflag:s7] =	ssyncset.done $0x0  }
0xd7: {  	[sflag:s7] =	ssyncadd.s32 $0xFFFFD800  }
0xd8: {  	_ =	swait.ge [sflag:s5], $0x2800  }
0xd9: {  	[sflag:s5] =	ssyncset.done $0x0  }
0xda: {  	[sflag:s5] =	ssyncadd.s32 $0xFFFFD800  }
0xdb: {  	_ =	swait.ge [sflag:s19], $0x50  }
0xdc: {  	[sflag:s19] =	ssyncset.done $0x0  }
0xdd: {  	[sflag:s19] =	ssyncadd.s32 $0xFFFFFFB0  }
0xde: {  	_ =	swait.ge [sflag:s19], $0x50  }
0xdf: {  	[sflag:s19] =	ssyncset.done $0x0  }
0xe0: {  	[sflag:s19] =	ssyncadd.s32 $0xFFFFFFB0  }
0xe1: {  	[tilespmem:s30], [sflag:$0x9] =	stream.indirect.gather [hbm4b:s0+s20], $0x80, s25, s20, $0xb8;
	[tilespmem:$0x1E080] =	vst v63  }
0xe2: {  	s23 =	simm.s32 $0x13F00  }
0xe3: {  	[spmem:s2] =	stream.indirect.scatter.add.f32 [tilespmem:s12], [sflag:$0xE], $0x80, s23, s20, $0xb8;
	[tilespmem:$0x1E080] =	vst v63  }
0xe4: {  	s23 =	sld [smem:$0x7EC];
	_ =	sdelay $0x1  }
0xe5: {  	s1 =	sld [smem:$0x7ED]  }
0xe6: {  	[tilespmem:s16], [sflag:$0x2] =	stream.linear.gather [hbm4b:s23+s3], $0x50, $0x38;
	[tilespmem:$0x1E080] =	vst v63  }
0xe7: {  	s23 =	simm.s32 $0x13D00  }
0xe8: {  	[tilespmem:s23], [sflag:$0x2] =	stream.linear.gather [hbm4b:s1+s3], $0x50, $0x38;
	[tilespmem:$0x1E080] =	vst v63  }
0xe9: {  	_ =	swait.ge [sflag:s6], $0x2800  }
0xea: {  	[sflag:s6] =	ssyncset.done $0x0  }
0xeb: {  	[sflag:s6] =	ssyncadd.s32 $0xFFFFD800  }
0xec: {  	_ =	swait.ge [sflag:s10], $0x2800  }
0xed: {  	[sflag:s10] =	ssyncset.done $0x0  }
0xee: {  	[sflag:s10] =	ssyncadd.s32 $0xFFFFD800  }
0xef: {  	_ =	swait.ge [sflag:s22], $0x50  }
0xf0: {  	[sflag:s22] =	ssyncset.done $0x0  }
0xf1: {  	[sflag:s22] =	ssyncadd.s32 $0xFFFFFFB0  }
0xf2: {  	_ =	swait.ge [sflag:s22], $0x50  }
0xf3: {  	[sflag:s22] =	ssyncset.done $0x0  }
0xf4: {  	[sflag:s22] =	ssyncadd.s32 $0xFFFFFFB0  }
0xf5: {  	[tilespmem:s12], [sflag:$0xA] =	stream.indirect.gather [hbm4b:s0+s20], $0x80, s16, s20, $0xb8;
	[tilespmem:$0x1E080] =	vst v63  }
0xf6: {  	s23 =	simm.s32 $0x13F80  }
0xf7: {  	[spmem:s2] =	stream.indirect.scatter.add.f32 [tilespmem:s17], [sflag:$0xF], $0x80, s23, s20, $0xb8;
	[tilespmem:$0x1E080] =	vst v63  }
0xf8: {  	s23 =	sld [smem:$0x7EE];
	_ =	sdelay $0x1  }
0xf9: {  	s1 =	sld [smem:$0x7EF]  }
0xfa: {  	[tilespmem:s21], [sflag:$0x3] =	stream.linear.gather [hbm4b:s23+s3], $0x50, $0x38;
	[tilespmem:$0x1E080] =	vst v63  }
0xfb: {  	s23 =	simm.s32 $0x13D80  }
0xfc: {  	[tilespmem:s23], [sflag:$0x3] =	stream.linear.gather [hbm4b:s1+s3], $0x50, $0x38;
	[tilespmem:$0x1E080] =	vst v63  }
0xfd: {  	_ =	swait.ge [sflag:s11], $0x2800  }
0xfe: {  	[sflag:s11] =	ssyncset.done $0x0  }
0xff: {  	[sflag:s11] =	ssyncadd.s32 $0xFFFFD800  }
0x100: {  	_ =	swait.ge [sflag:s14], $0x2800  }
0x101: {  	[sflag:s14] =	ssyncset.done $0x0  }
0x102: {  	[sflag:s14] =	ssyncadd.s32 $0xFFFFD800  }
0x103: {  	_ =	swait.ge [sflag:s24], $0x50  }
0x104: {  	[sflag:s24] =	ssyncset.done $0x0  }
0x105: {  	[sflag:s24] =	ssyncadd.s32 $0xFFFFFFB0  }
0x106: {  	_ =	swait.ge [sflag:s24], $0x50  }
0x107: {  	[sflag:s24] =	ssyncset.done $0x0  }
0x108: {  	[sflag:s24] =	ssyncadd.s32 $0xFFFFFFB0  }
0x109: {  	[tilespmem:s17], [sflag:$0xB] =	stream.indirect.gather [hbm4b:s0+s20], $0x80, s21, s20, $0xb8;
	[tilespmem:$0x1E080] =	vst v63  }
0x10a: {  	s23 =	simm.s32 $0x14000;
	s17 =	sld [smem:$0x7F2]  }
0x10b: {  	[spmem:s2] =	stream.indirect.scatter.add.f32 [tilespmem:s28], [sflag:$0x10], $0x80, s23, s20, $0xb8;
	[tilespmem:$0x1E080] =	vst v63  }
0x10c: {  	s1 =	sld [smem:$0x7F3];
	s23 =	simm.s32 $0x13A00  }
0x10d: {  	[tilespmem:s23], [sflag:$0x4] =	stream.linear.gather [hbm4b:s17+s3], $0x50, $0x38;
	[tilespmem:$0x1E080] =	vst v63  }
0x10e: {  	s17 =	simm.s32 $0x13E00  }
0x10f: {  	[tilespmem:s17], [sflag:$0x4] =	stream.linear.gather [hbm4b:s1+s3], $0x50, $0x38;
	[tilespmem:$0x1E080] =	vst v63  }
0x110: {  	_ =	swait.ge [sflag:s4], $0x2800  }
0x111: {  	[sflag:s4] =	ssyncset.done $0x0  }
0x112: {  	[sflag:s4] =	ssyncadd.s32 $0xFFFFD800  }
0x113: {  	_ =	swait.ge [sflag:s31], $0x2800  }
0x114: {  	[sflag:s31] =	ssyncset.done $0x0  }
0x115: {  	[sflag:s31] =	ssyncadd.s32 $0xFFFFD800  }
0x116: {  	_ =	swait.ge [sflag:s8], $0x50  }
0x117: {  	[sflag:s8] =	ssyncset.done $0x0  }
0x118: {  	[sflag:s8] =	ssyncadd.s32 $0xFFFFFFB0  }
0x119: {  	_ =	swait.ge [sflag:s8], $0x50  }
0x11a: {  	[sflag:s8] =	ssyncset.done $0x0  }
0x11b: {  	[sflag:s8] =	ssyncadd.s32 $0xFFFFFFB0  }
0x11c: {  	[tilespmem:s28], [sflag:$0xC] =	stream.indirect.gather [hbm4b:s0+s20], $0x80, s23, s20, $0xb8;
	[tilespmem:$0x1E080] =	vst v63  }
0x11d: {  	s17 =	simm.s32 $0x13C80;
	s1 =	rddreg [dreg:$0x14]  }
0x11e: {  	[spmem:s2] =	stream.indirect.scatter.add.f32 [tilespmem:s30], [sflag:$0xD], $0x80, s17, s20, $0xb8;
	[tilespmem:$0x1E080] =	vst v63  }
0x11f: {  	s8 =	rddreg [dreg:$0x13];
	s1 =	sadd.s32 $0x0, s1;
	s17 =	simm.s32 $0x13A80  }
0x120: {  	[tilespmem:s17], [sflag:$0x5] =	stream.linear.gather [hbm4b:s1+s3], $0x50, $0x38;
	[tilespmem:$0x1E080] =	vst v63  }
0x121: {  	s8 =	sadd.s32 $0x0, s8;
	s23 =	simm.s32 $0x13E80  }
0x122: {  	[tilespmem:s23], [sflag:$0x5] =	stream.linear.gather [hbm4b:s8+s3], $0x50, $0x38;
	[tilespmem:$0x1E080] =	vst v63  }
0x123: {  	_ =	swait.ge [sflag:s7], $0x2800  }
0x124: {  	[sflag:s7] =	ssyncset.done $0x0  }
0x125: {  	[sflag:s7] =	ssyncadd.s32 $0xFFFFD800  }
0x126: {  	_ =	swait.ge [sflag:s5], $0x2800  }
0x127: {  	[sflag:s5] =	ssyncset.done $0x0  }
0x128: {  	[sflag:s5] =	ssyncadd.s32 $0xFFFFD800  }
0x129: {  	_ =	swait.ge [sflag:s26], $0x50  }
0x12a: {  	[sflag:s26] =	ssyncset.done $0x0  }
0x12b: {  	[sflag:s26] =	ssyncadd.s32 $0xFFFFFFB0  }
0x12c: {  	_ =	swait.ge [sflag:s26], $0x50  }
0x12d: {  	[sflag:s26] =	ssyncset.done $0x0  }
0x12e: {  	[sflag:s26] =	ssyncadd.s32 $0xFFFFFFB0  }
0x12f: {  	[tilespmem:s30], [sflag:$0x9] =	stream.indirect.gather [hbm4b:s0+s20], $0x80, s17, s20, $0xb8;
	[tilespmem:$0x1E080] =	vst v63  }
0x130: {  	s23 =	simm.s32 $0x13D00;
	s8 =	rddreg [dreg:$0x12]  }
0x131: {  	[spmem:s2] =	stream.indirect.scatter.add.f32 [tilespmem:s12], [sflag:$0xE], $0x80, s23, s20, $0xb8;
	[tilespmem:$0x1E080] =	vst v63  }
0x132: {  	s26 =	rddreg [dreg:$0x11];
	s1 =	sadd.s32 $0x0, s8;
	s17 =	simm.s32 $0x13B00  }
0x133: {  	[tilespmem:s17], [sflag:$0x6] =	stream.linear.gather [hbm4b:s1+s3], $0x50, $0x38;
	[tilespmem:$0x1E080] =	vst v63  }
0x134: {  	s8 =	sadd.s32 $0x0, s26;
	s26 =	simm.s32 $0x13F00  }
0x135: {  	[tilespmem:s26], [sflag:$0x6] =	stream.linear.gather [hbm4b:s8+s3], $0x50, $0x38;
	[tilespmem:$0x1E080] =	vst v63  }
0x136: {  	_ =	swait.ge [sflag:s6], $0x2800  }
0x137: {  	[sflag:s6] =	ssyncset.done $0x0  }
0x138: {  	[sflag:s6] =	ssyncadd.s32 $0xFFFFD800  }
0x139: {  	_ =	swait.ge [sflag:s10], $0x2800  }
0x13a: {  	[sflag:s10] =	ssyncset.done $0x0  }
0x13b: {  	[sflag:s10] =	ssyncadd.s32 $0xFFFFD800  }
0x13c: {  	_ =	swait.ge [sflag:s9], $0x50  }
0x13d: {  	[sflag:s9] =	ssyncset.done $0x0  }
0x13e: {  	[sflag:s9] =	ssyncadd.s32 $0xFFFFFFB0  }
0x13f: {  	_ =	swait.ge [sflag:s9], $0x50  }
0x140: {  	[sflag:s9] =	ssyncset.done $0x0  }
0x141: {  	[sflag:s9] =	ssyncadd.s32 $0xFFFFFFB0  }
0x142: {  	[tilespmem:s12], [sflag:$0xA] =	stream.indirect.gather [hbm4b:s0+s20], $0x80, s17, s20, $0xb8;
	[tilespmem:$0x1E080] =	vst v63  }
0x143: {  	s1 =	rddreg [dreg:$0x10];
	s9 =	simm.s32 $0x13D80;
	s17 =	simm.s32 $0x19080  }
0x144: {  	[spmem:s2] =	stream.indirect.scatter.add.f32 [tilespmem:s17], [sflag:$0xF], $0x80, s9, s20, $0xb8;
	[tilespmem:$0x1E080] =	vst v63  }
0x145: {  	s8 =	rddreg [dreg:$0xf];
	s1 =	sadd.s32 $0x0, s1  }
0x146: {  	[tilespmem:s13], [sflag:$0x7] =	stream.linear.gather [hbm4b:s1+s3], $0x50, $0x38;
	[tilespmem:$0x1E080] =	vst v63  }
0x147: {  	s8 =	sadd.s32 $0x0, s8;
	s9 =	simm.s32 $0x13F80  }
0x148: {  	[tilespmem:s9], [sflag:$0x7] =	stream.linear.gather [hbm4b:s8+s3], $0x50, $0x38;
	[tilespmem:$0x1E080] =	vst v63  }
0x149: {  	_ =	swait.ge [sflag:s11], $0x2800  }
0x14a: {  	[sflag:s11] =	ssyncset.done $0x0  }
0x14b: {  	[sflag:s11] =	ssyncadd.s32 $0xFFFFD800  }
0x14c: {  	_ =	swait.ge [sflag:s14], $0x2800  }
0x14d: {  	[sflag:s14] =	ssyncset.done $0x0  }
0x14e: {  	[sflag:s14] =	ssyncadd.s32 $0xFFFFD800  }
0x14f: {  	_ =	swait.ge [sflag:s15], $0x50  }
0x150: {  	[sflag:s15] =	ssyncset.done $0x0  }
0x151: {  	[sflag:s15] =	ssyncadd.s32 $0xFFFFFFB0  }
0x152: {  	_ =	swait.ge [sflag:s15], $0x50  }
0x153: {  	[sflag:s15] =	ssyncset.done $0x0  }
0x154: {  	[sflag:s15] =	ssyncadd.s32 $0xFFFFFFB0  }
0x155: {  	[tilespmem:s17], [sflag:$0xB] =	stream.indirect.gather [hbm4b:s0+s20], $0x80, s13, s20, $0xb8;
	[tilespmem:$0x1E080] =	vst v63  }
0x156: {  	s1 =	rddreg [dreg:$0xe];
	s13 =	simm.s32 $0x1B880;
	s17 =	simm.s32 $0x13E00  }
0x157: {  	[spmem:s2] =	stream.indirect.scatter.add.f32 [tilespmem:s13], [sflag:$0x10], $0x80, s17, s20, $0xb8;
	[tilespmem:$0x1E080] =	vst v63  }
0x158: {  	s8 =	rddreg [dreg:$0xd];
	s1 =	sadd.s32 $0x0, s1  }
0x159: {  	[tilespmem:s29], [sflag:$0x8] =	stream.linear.gather [hbm4b:s1+s3], $0x50, $0x38;
	[tilespmem:$0x1E080] =	vst v63  }
0x15a: {  	s8 =	sadd.s32 $0x0, s8;
	s17 =	simm.s32 $0x14000  }
0x15b: {  	[tilespmem:s17], [sflag:$0x8] =	stream.linear.gather [hbm4b:s8+s3], $0x50, $0x38;
	[tilespmem:$0x1E080] =	vst v63  }
0x15c: {  	_ =	swait.ge [sflag:s4], $0x2800  }
0x15d: {  	[sflag:s4] =	ssyncset.done $0x0  }
0x15e: {  	[sflag:s4] =	ssyncadd.s32 $0xFFFFD800  }
0x15f: {  	_ =	swait.ge [sflag:s31], $0x2800  }
0x160: {  	[sflag:s31] =	ssyncset.done $0x0  }
0x161: {  	[sflag:s31] =	ssyncadd.s32 $0xFFFFD800  }
0x162: {  	_ =	swait.ge [sflag:s18], $0x50  }
0x163: {  	[sflag:s18] =	ssyncset.done $0x0  }
0x164: {  	[sflag:s18] =	ssyncadd.s32 $0xFFFFFFB0  }
0x165: {  	_ =	swait.ge [sflag:s18], $0x50  }
0x166: {  	[sflag:s18] =	ssyncset.done $0x0  }
0x167: {  	[sflag:s18] =	ssyncadd.s32 $0xFFFFFFB0  }
0x168: {  	[tilespmem:s13], [sflag:$0xC] =	stream.indirect.gather [hbm4b:s0+s20], $0x80, s29, s20, $0xb8;
	[tilespmem:$0x1E080] =	vst v63  }
0x169: {  	s8 =	rddreg [dreg:$0xc];
	s18 =	simm.s32 $0x13E80  }
0x16a: {  	[spmem:s2] =	stream.indirect.scatter.add.f32 [tilespmem:s30], [sflag:$0xD], $0x80, s18, s20, $0xb8;
	[tilespmem:$0x1E080] =	vst v63  }
0x16b: {  	s31 =	rddreg [dreg:$0xb];
	s1 =	sadd.s32 $0x0, s8  }
0x16c: {  	[tilespmem:s25], [sflag:$0x1] =	stream.linear.gather [hbm4b:s1+s3], $0x50, $0x38;
	[tilespmem:$0x1E080] =	vst v63  }
0x16d: {  	s29 =	sadd.s32 $0x0, s31;
	s31 =	simm.s32 $0x13C80  }
0x16e: {  	[tilespmem:s31], [sflag:$0x1] =	stream.linear.gather [hbm4b:s29+s3], $0x50, $0x38;
	[tilespmem:$0x1E080] =	vst v63  }
0x16f: {  	_ =	swait.ge [sflag:s7], $0x2800  }
0x170: {  	[sflag:s7] =	ssyncset.done $0x0  }
0x171: {  	[sflag:s7] =	ssyncadd.s32 $0xFFFFD800  }
0x172: {  	_ =	swait.ge [sflag:s5], $0x2800  }
0x173: {  	[sflag:s5] =	ssyncset.done $0x0  }
0x174: {  	[sflag:s5] =	ssyncadd.s32 $0xFFFFD800  }
0x175: {  	_ =	swait.ge [sflag:s19], $0x50  }
0x176: {  	[sflag:s19] =	ssyncset.done $0x0  }
0x177: {  	[sflag:s19] =	ssyncadd.s32 $0xFFFFFFB0  }
0x178: {  	_ =	swait.ge [sflag:s19], $0x50  }
0x179: {  	[sflag:s19] =	ssyncset.done $0x0  }
0x17a: {  	[sflag:s19] =	ssyncadd.s32 $0xFFFFFFB0  }
0x17b: {  	[tilespmem:s30], [sflag:$0x9] =	stream.indirect.gather [hbm4b:s0+s20], $0x80, s25, s20, $0xb8;
	[tilespmem:$0x1E080] =	vst v63  }
0x17c: {  	s17 =	rddreg [dreg:$0xa]  }
0x17d: {  	[spmem:s2] =	stream.indirect.scatter.add.f32 [tilespmem:s12], [sflag:$0xE], $0x80, s26, s20, $0xb8;
	[tilespmem:$0x1E080] =	vst v63  }
0x17e: {  	s18 =	rddreg [dreg:$0x9];
	s1 =	sadd.s32 $0x0, s17  }
0x17f: {  	[tilespmem:s16], [sflag:$0x2] =	stream.linear.gather [hbm4b:s1+s3], $0x50, $0x38;
	[tilespmem:$0x1E080] =	vst v63  }
0x180: {  	s19 =	sadd.s32 $0x0, s18  }
0x181: {  	[tilespmem:s23], [sflag:$0x2] =	stream.linear.gather [hbm4b:s19+s3], $0x50, $0x38;
	[tilespmem:$0x1E080] =	vst v63  }
0x182: {  	_ =	swait.ge [sflag:s6], $0x2800  }
0x183: {  	[sflag:s6] =	ssyncset.done $0x0  }
0x184: {  	[sflag:s6] =	ssyncadd.s32 $0xFFFFD800  }
0x185: {  	_ =	swait.ge [sflag:s10], $0x2800  }
0x186: {  	[sflag:s10] =	ssyncset.done $0x0  }
0x187: {  	[sflag:s10] =	ssyncadd.s32 $0xFFFFD800  }
0x188: {  	_ =	swait.ge [sflag:s22], $0x50  }
0x189: {  	[sflag:s22] =	ssyncset.done $0x0  }
0x18a: {  	[sflag:s22] =	ssyncadd.s32 $0xFFFFFFB0  }
0x18b: {  	_ =	swait.ge [sflag:s22], $0x50  }
0x18c: {  	[sflag:s22] =	ssyncset.done $0x0  }
0x18d: {  	[sflag:s22] =	ssyncadd.s32 $0xFFFFFFB0  }
0x18e: {  	[tilespmem:s12], [sflag:$0xA] =	stream.indirect.gather [hbm4b:s0+s20], $0x80, s16, s20, $0xb8;
	[tilespmem:$0x1E080] =	vst v63  }
0x18f: {  	s15 =	simm.s32 $0x19080;
	s23 =	rddreg [dreg:$0x8]  }
0x190: {  	[spmem:s2] =	stream.indirect.scatter.add.f32 [tilespmem:s15], [sflag:$0xF], $0x80, s9, s20, $0xb8;
	[tilespmem:$0x1E080] =	vst v63  }
0x191: {  	s25 =	rddreg [dreg:$0x7];
	s1 =	sadd.s32 $0x0, s23  }
0x192: {  	[tilespmem:s21], [sflag:$0x3] =	stream.linear.gather [hbm4b:s1+s3], $0x50, $0x38;
	[tilespmem:$0x1E080] =	vst v63  }
0x193: {  	s28 =	simm.s32 $0x13D80;
	s26 =	sadd.s32 $0x0, s25  }
0x194: {  	[tilespmem:s28], [sflag:$0x3] =	stream.linear.gather [hbm4b:s26+s3], $0x50, $0x38;
	[tilespmem:$0x1E080] =	vst v63  }
0x195: {  	_ =	swait.ge [sflag:s11], $0x2800  }
0x196: {  	[sflag:s11] =	ssyncset.done $0x0  }
0x197: {  	[sflag:s11] =	ssyncadd.s32 $0xFFFFD800  }
0x198: {  	_ =	swait.ge [sflag:s14], $0x2800  }
0x199: {  	[sflag:s14] =	ssyncset.done $0x0  }
0x19a: {  	[sflag:s14] =	ssyncadd.s32 $0xFFFFD800  }
0x19b: {  	_ =	swait.ge [sflag:s24], $0x50  }
0x19c: {  	[sflag:s24] =	ssyncset.done $0x0  }
0x19d: {  	[sflag:s24] =	ssyncadd.s32 $0xFFFFFFB0  }
0x19e: {  	_ =	swait.ge [sflag:s24], $0x50  }
0x19f: {  	s4 =	simm.s32 $0x14000;
	s13 =	simm.s32 $0x1B880;
	[sflag:s24] =	ssyncset.done $0x0  }
0x1a0: {  	s31 =	simm.s32 $0x13A00;
	s29 =	rddreg [dreg:$0x6];
	[sflag:s24] =	ssyncadd.s32 $0xFFFFFFB0  }
0x1a1: {  	[tilespmem:s15], [sflag:$0xB] =	stream.indirect.gather [hbm4b:s0+s20], $0x80, s21, s20, $0xb8;
	[tilespmem:$0x1E080] =	vst v63  }
0x1a2: {  	s18 =	simm.s32 $0x7;
	s6 =	simm.s32 $0x1;
	s30 =	rddreg [dreg:$0x5]  }
0x1a3: {  	[spmem:s2] =	stream.indirect.scatter.add.f32 [tilespmem:s13], [sflag:$0x10], $0x80, s4, s20, $0xb8;
	[tilespmem:$0x1E080] =	vst v63  }
0x1a4: {  	s28 =	simm.s32 $0x3;
	s1 =	sadd.s32 $0x0, s29;
	s8 =	sadd.s32 $0x0, s30  }
0x1a5: {  	[tilespmem:s31], [sflag:$0x4] =	stream.linear.gather [hbm4b:s1+s3], $0x50, $0x38;
	[tilespmem:$0x1E080] =	vst v63  }
0x1a6: {  	s24 =	simm.s32 $0x2;
	s13 =	simm.s32 $0x6;
	s1 =	simm.s32 $0x50  }
.LBB2_2:
0x1a7: {  	s17 =	simm.s32 $0x13E00;
	s4 =	simm.s32 $0x9  }
0x1a8: {  	[tilespmem:s17], [sflag:$0x4] =	stream.linear.gather [hbm4b:s8+s3], $0x50, $0x38;
	[tilespmem:$0x1E080] =	vst v63  }
0x1a9: {  	_ =	swait.ge [sflag:s4], $0x2800  }
0x1aa: {  	[sflag:s4] =	ssyncset.done $0x0  }
0x1ab: {  	s31 =	simm.s32 $0x10;
	[sflag:s4] =	ssyncadd.s32 $0xFFFFD800  }
0x1ac: {  	_ =	swait.ge [sflag:s31], $0x2800  }
0x1ad: {  	[sflag:s31] =	ssyncset.done $0x0  }
0x1ae: {  	s10 =	simm.s32 $0x4;
	[sflag:s31] =	ssyncadd.s32 $0xFFFFD800  }
0x1af: {  	_ =	swait.ge [sflag:s10], $0x50  }
0x1b0: {  	[sflag:s10] =	ssyncset.done $0x0  }
0x1b1: {  	[sflag:s10] =	ssyncadd.s32 $0xFFFFFFB0  }
0x1b2: {  	_ =	swait.ge [sflag:s10], $0x50  }
0x1b3: {  	[sflag:s10] =	ssyncset.done $0x0  }
0x1b4: {  	s0 =	simm.s32 $0x13A00;
	s14 =	rddreg [dreg:$0x14];
	[sflag:s10] =	ssyncadd.s32 $0xFFFFFFB0  }
0x1b5: {  	s25 =	simm.s32 $0x1B880;
	s16 =	simm.s32 $0x13C80;
	s2 =	rddreg [dreg:$0x0]  }
0x1b6: {  	[tilespmem:s25], [sflag:$0xC] =	stream.indirect.gather [hbm4b:s2+s20], $0x80, s0, s20, $0xb8;
	[tilespmem:$0x1E080] =	vst v63  }
0x1b7: {  	s23 =	simm.s32 $0x14080;
	s8 =	smov.u32 s1;
	s0 =	rddreg [dreg:$0x3]  }
0x1b8: {  	[spmem:s0] =	stream.indirect.scatter.add.f32 [tilespmem:s23], [sflag:$0xD], $0x80, s16, s20, $0xb8;
	[tilespmem:$0x1E080] =	vst v63  }
0x1b9: {  	s19 =	simm.s32 $0x13A80;
	s11 =	rddreg [dreg:$0x13];
	s10 =	sadd.s32 s8, s14  }
0x1ba: {  	[tilespmem:s19], [sflag:$0x5] =	stream.linear.gather [hbm4b:s10+s3], $0x50, $0x38;
	[tilespmem:$0x1E080] =	vst v63  }
0x1bb: {  	s7 =	simm.s32 $0x13E80;
	s5 =	simm.s32 $0xA;
	s15 =	sadd.s32 s8, s11  }
0x1bc: {  	[tilespmem:s7], [sflag:$0x5] =	stream.linear.gather [hbm4b:s15+s3], $0x50, $0x38;
	[tilespmem:$0x1E080] =	vst v63  }
0x1bd: {  	_ =	swait.ge [sflag:s5], $0x2800  }
0x1be: {  	[sflag:s5] =	ssyncset.done $0x0  }
0x1bf: {  	s26 =	simm.s32 $0xD;
	[sflag:s5] =	ssyncadd.s32 $0xFFFFD800  }
0x1c0: {  	_ =	swait.ge [sflag:s26], $0x2800  }
0x1c1: {  	[sflag:s26] =	ssyncset.done $0x0  }
0x1c2: {  	s21 =	simm.s32 $0x5;
	[sflag:s26] =	ssyncadd.s32 $0xFFFFD800  }
0x1c3: {  	_ =	swait.ge [sflag:s21], $0x50  }
0x1c4: {  	[sflag:s21] =	ssyncset.done $0x0  }
0x1c5: {  	[sflag:s21] =	ssyncadd.s32 $0xFFFFFFB0  }
0x1c6: {  	_ =	swait.ge [sflag:s21], $0x50  }
0x1c7: {  	[sflag:s21] =	ssyncset.done $0x0  }
0x1c8: {  	[sflag:s21] =	ssyncadd.s32 $0xFFFFFFB0  }
0x1c9: {  	[tilespmem:s23], [sflag:$0x9] =	stream.indirect.gather [hbm4b:s2+s20], $0x80, s19, s20, $0xb8;
	[tilespmem:$0x1E080] =	vst v63  }
0x1ca: {  	s9 =	simm.s32 $0x13D00;
	s30 =	simm.s32 $0x16880;
	s22 =	rddreg [dreg:$0x12]  }
0x1cb: {  	[spmem:s0] =	stream.indirect.scatter.add.f32 [tilespmem:s30], [sflag:$0xE], $0x80, s9, s20, $0xb8;
	[tilespmem:$0x1E080] =	vst v63  }
0x1cc: {  	s14 =	simm.s32 $0x13B00;
	s29 =	rddreg [dreg:$0x11];
	s10 =	sadd.s32 s8, s22  }
0x1cd: {  	[tilespmem:s14], [sflag:$0x6] =	stream.linear.gather [hbm4b:s10+s3], $0x50, $0x38;
	[tilespmem:$0x1E080] =	vst v63  }
0x1ce: {  	s21 =	simm.s32 $0x13F00;
	s19 =	simm.s32 $0xB;
	s9 =	sadd.s32 s8, s29  }
0x1cf: {  	[tilespmem:s21], [sflag:$0x6] =	stream.linear.gather [hbm4b:s9+s3], $0x50, $0x38;
	[tilespmem:$0x1E080] =	vst v63  }
0x1d0: {  	_ =	swait.ge [sflag:s19], $0x2800  }
0x1d1: {  	[sflag:s19] =	ssyncset.done $0x0  }
0x1d2: {  	s9 =	simm.s32 $0xE;
	[sflag:s19] =	ssyncadd.s32 $0xFFFFD800  }
0x1d3: {  	_ =	swait.ge [sflag:s9], $0x2800  }
0x1d4: {  	[sflag:s9] =	ssyncset.done $0x0  }
0x1d5: {  	[sflag:s9] =	ssyncadd.s32 $0xFFFFD800  }
0x1d6: {  	_ =	swait.ge [sflag:s13], $0x50  }
0x1d7: {  	[sflag:s13] =	ssyncset.done $0x0  }
0x1d8: {  	[sflag:s13] =	ssyncadd.s32 $0xFFFFFFB0  }
0x1d9: {  	_ =	swait.ge [sflag:s13], $0x50  }
0x1da: {  	[sflag:s13] =	ssyncset.done $0x0  }
0x1db: {  	[sflag:s13] =	ssyncadd.s32 $0xFFFFFFB0  }
0x1dc: {  	[tilespmem:s30], [sflag:$0xA] =	stream.indirect.gather [hbm4b:s2+s20], $0x80, s14, s20, $0xb8;
	[tilespmem:$0x1E080] =	vst v63  }
0x1dd: {  	s12 =	simm.s32 $0x13D80;
	s29 =	simm.s32 $0x19080;
	s11 =	rddreg [dreg:$0x10]  }
0x1de: {  	[spmem:s0] =	stream.indirect.scatter.add.f32 [tilespmem:s29], [sflag:$0xF], $0x80, s12, s20, $0xb8;
	[tilespmem:$0x1E080] =	vst v63  }
0x1df: {  	s22 =	simm.s32 $0x13B80;
	s10 =	sadd.s32 s8, s11;
	s14 =	rddreg [dreg:$0xf]  }
0x1e0: {  	[tilespmem:s22], [sflag:$0x7] =	stream.linear.gather [hbm4b:s10+s3], $0x50, $0x38;
	[tilespmem:$0x1E080] =	vst v63  }
0x1e1: {  	s15 =	sadd.s32 s8, s14;
	s14 =	simm.s32 $0xC;
	s12 =	simm.s32 $0x13F80  }
0x1e2: {  	[tilespmem:s12], [sflag:$0x7] =	stream.linear.gather [hbm4b:s15+s3], $0x50, $0x38;
	[tilespmem:$0x1E080] =	vst v63  }
0x1e3: {  	_ =	swait.ge [sflag:s14], $0x2800  }
0x1e4: {  	[sflag:s14] =	ssyncset.done $0x0  }
0x1e5: {  	s15 =	simm.s32 $0xF;
	[sflag:s14] =	ssyncadd.s32 $0xFFFFD800  }
0x1e6: {  	_ =	swait.ge [sflag:s15], $0x2800  }
0x1e7: {  	[sflag:s15] =	ssyncset.done $0x0  }
0x1e8: {  	[sflag:s15] =	ssyncadd.s32 $0xFFFFD800  }
0x1e9: {  	_ =	swait.ge [sflag:s18], $0x50  }
0x1ea: {  	[sflag:s18] =	ssyncset.done $0x0  }
0x1eb: {  	[sflag:s18] =	ssyncadd.s32 $0xFFFFFFB0  }
0x1ec: {  	_ =	swait.ge [sflag:s18], $0x50  }
0x1ed: {  	[sflag:s18] =	ssyncset.done $0x0  }
0x1ee: {  	[sflag:s18] =	ssyncadd.s32 $0xFFFFFFB0  }
0x1ef: {  	[tilespmem:s29], [sflag:$0xB] =	stream.indirect.gather [hbm4b:s2+s20], $0x80, s22, s20, $0xb8;
	[tilespmem:$0x1E080] =	vst v63  }
0x1f0: {  	s11 =	rddreg [dreg:$0xe]  }
0x1f1: {  	[spmem:s0] =	stream.indirect.scatter.add.f32 [tilespmem:s25], [sflag:$0x10], $0x80, s17, s20, $0xb8;
	[tilespmem:$0x1E080] =	vst v63  }
0x1f2: {  	s10 =	sadd.s32 s8, s11;
	s22 =	rddreg [dreg:$0xd];
	s17 =	simm.s32 $0x13C00  }
0x1f3: {  	[tilespmem:s17], [sflag:$0x8] =	stream.linear.gather [hbm4b:s10+s3], $0x50, $0x38;
	[tilespmem:$0x1E080] =	vst v63  }
0x1f4: {  	s11 =	sadd.s32 s8, s22;
	s22 =	simm.s32 $0x14000  }
0x1f5: {  	[tilespmem:s22], [sflag:$0x8] =	stream.linear.gather [hbm4b:s11+s3], $0x50, $0x38;
	[tilespmem:$0x1E080] =	vst v63  }
0x1f6: {  	_ =	swait.ge [sflag:s4], $0x2800  }
0x1f7: {  	[sflag:s4] =	ssyncset.done $0x0  }
0x1f8: {  	[sflag:s4] =	ssyncadd.s32 $0xFFFFD800  }
0x1f9: {  	_ =	swait.ge [sflag:s31], $0x2800  }
0x1fa: {  	[sflag:s31] =	ssyncset.done $0x0  }
0x1fb: {  	s11 =	simm.s32 $0x8;
	[sflag:s31] =	ssyncadd.s32 $0xFFFFD800  }
0x1fc: {  	_ =	swait.ge [sflag:s11], $0x50  }
0x1fd: {  	[sflag:s11] =	ssyncset.done $0x0  }
0x1fe: {  	[sflag:s11] =	ssyncadd.s32 $0xFFFFFFB0  }
0x1ff: {  	_ =	swait.ge [sflag:s11], $0x50  }
0x200: {  	[sflag:s11] =	ssyncset.done $0x0  }
0x201: {  	[sflag:s11] =	ssyncadd.s32 $0xFFFFFFB0  }
0x202: {  	[tilespmem:s25], [sflag:$0xC] =	stream.indirect.gather [hbm4b:s2+s20], $0x80, s17, s20, $0xb8;
	[tilespmem:$0x1E080] =	vst v63  }
0x203: {  	s22 =	rddreg [dreg:$0xc]  }
0x204: {  	[spmem:s0] =	stream.indirect.scatter.add.f32 [tilespmem:s23], [sflag:$0xD], $0x80, s7, s20, $0xb8;
	[tilespmem:$0x1E080] =	vst v63  }
0x205: {  	s4 =	rddreg [dreg:$0xb];
	s10 =	sadd.s32 s8, s22;
	s7 =	simm.s32 $0x13880  }
0x206: {  	[tilespmem:s7], [sflag:$0x1] =	stream.linear.gather [hbm4b:s10+s3], $0x50, $0x38;
	[tilespmem:$0x1E080] =	vst v63  }
0x207: {  	s11 =	sadd.s32 s8, s4  }
0x208: {  	[tilespmem:s16], [sflag:$0x1] =	stream.linear.gather [hbm4b:s11+s3], $0x50, $0x38;
	[tilespmem:$0x1E080] =	vst v63  }
0x209: {  	_ =	swait.ge [sflag:s5], $0x2800  }
0x20a: {  	[sflag:s5] =	ssyncset.done $0x0  }
0x20b: {  	[sflag:s5] =	ssyncadd.s32 $0xFFFFD800  }
0x20c: {  	_ =	swait.ge [sflag:s26], $0x2800  }
0x20d: {  	[sflag:s26] =	ssyncset.done $0x0  }
0x20e: {  	[sflag:s26] =	ssyncadd.s32 $0xFFFFD800  }
0x20f: {  	_ =	swait.ge [sflag:s6], $0x50  }
0x210: {  	[sflag:s6] =	ssyncset.done $0x0  }
0x211: {  	[sflag:s6] =	ssyncadd.s32 $0xFFFFFFB0  }
0x212: {  	_ =	swait.ge [sflag:s6], $0x50  }
0x213: {  	[sflag:s6] =	ssyncset.done $0x0  }
0x214: {  	[sflag:s6] =	ssyncadd.s32 $0xFFFFFFB0  }
0x215: {  	[tilespmem:s23], [sflag:$0x9] =	stream.indirect.gather [hbm4b:s2+s20], $0x80, s7, s20, $0xb8;
	[tilespmem:$0x1E080] =	vst v63  }
0x216: {  	s22 =	rddreg [dreg:$0xa]  }
0x217: {  	[spmem:s0] =	stream.indirect.scatter.add.f32 [tilespmem:s30], [sflag:$0xE], $0x80, s21, s20, $0xb8;
	[tilespmem:$0x1E080] =	vst v63  }
0x218: {  	s16 =	simm.s32 $0x13900;
	s26 =	rddreg [dreg:$0x9];
	s10 =	sadd.s32 s8, s22  }
0x219: {  	[tilespmem:s16], [sflag:$0x2] =	stream.linear.gather [hbm4b:s10+s3], $0x50, $0x38;
	[tilespmem:$0x1E080] =	vst v63  }
0x21a: {  	s5 =	simm.s32 $0x13D00;
	s4 =	sadd.s32 s8, s26  }
0x21b: {  	[tilespmem:s5], [sflag:$0x2] =	stream.linear.gather [hbm4b:s4+s3], $0x50, $0x38;
	[tilespmem:$0x1E080] =	vst v63  }
0x21c: {  	_ =	swait.ge [sflag:s19], $0x2800  }
0x21d: {  	[sflag:s19] =	ssyncset.done $0x0  }
0x21e: {  	[sflag:s19] =	ssyncadd.s32 $0xFFFFD800  }
0x21f: {  	_ =	swait.ge [sflag:s9], $0x2800  }
0x220: {  	[sflag:s9] =	ssyncset.done $0x0  }
0x221: {  	[sflag:s9] =	ssyncadd.s32 $0xFFFFD800  }
0x222: {  	_ =	swait.ge [sflag:s24], $0x50  }
0x223: {  	[sflag:s24] =	ssyncset.done $0x0  }
0x224: {  	[sflag:s24] =	ssyncadd.s32 $0xFFFFFFB0  }
0x225: {  	_ =	swait.ge [sflag:s24], $0x50  }
0x226: {  	[sflag:s24] =	ssyncset.done $0x0  }
0x227: {  	[sflag:s24] =	ssyncadd.s32 $0xFFFFFFB0  }
0x228: {  	[tilespmem:s30], [sflag:$0xA] =	stream.indirect.gather [hbm4b:s2+s20], $0x80, s16, s20, $0xb8;
	[tilespmem:$0x1E080] =	vst v63  }
0x229: {  	s7 =	rddreg [dreg:$0x8]  }
0x22a: {  	[spmem:s0] =	stream.indirect.scatter.add.f32 [tilespmem:s29], [sflag:$0xF], $0x80, s12, s20, $0xb8;
	[tilespmem:$0x1E080] =	vst v63  }
0x22b: {  	s21 =	simm.s32 $0x13980;
	s9 =	rddreg [dreg:$0x7];
	s10 =	sadd.s32 s8, s7  }
0x22c: {  	[tilespmem:s21], [sflag:$0x3] =	stream.linear.gather [hbm4b:s10+s3], $0x50, $0x38;
	[tilespmem:$0x1E080] =	vst v63  }
0x22d: {  	s11 =	sadd.s32 s8, s9;
	s12 =	simm.s32 $0x13D80  }
0x22e: {  	[tilespmem:s12], [sflag:$0x3] =	stream.linear.gather [hbm4b:s11+s3], $0x50, $0x38;
	[tilespmem:$0x1E080] =	vst v63  }
0x22f: {  	_ =	swait.ge [sflag:s14], $0x2800  }
0x230: {  	[sflag:s14] =	ssyncset.done $0x0  }
0x231: {  	[sflag:s14] =	ssyncadd.s32 $0xFFFFD800  }
0x232: {  	_ =	swait.ge [sflag:s15], $0x2800  }
0x233: {  	[sflag:s15] =	ssyncset.done $0x0  }
0x234: {  	[sflag:s15] =	ssyncadd.s32 $0xFFFFD800  }
0x235: {  	_ =	swait.ge [sflag:s28], $0x50  }
0x236: {  	[sflag:s28] =	ssyncset.done $0x0  }
0x237: {  	[sflag:s28] =	ssyncadd.s32 $0xFFFFFFB0  }
0x238: {  	p1 =	sne.s32 s1, $0x410;
	s1 =	sadd.s32 $0x50, s1;
	_ =	swait.ge [sflag:s28], $0x50  }
0x239: {  	s31 =	simm.s32 $0x14000;
	s17 =	simm.s32 $0x13C80;
	[sflag:s28] =	ssyncset.done $0x0  }
0x23a: {  	s23 =	simm.s32 $0x13D00;
	s4 =	simm.s32 $0x19080;
	[sflag:s28] =	ssyncadd.s32 $0xFFFFFFB0  }
0x23b: {  	[tilespmem:s29], [sflag:$0xB] =	stream.indirect.gather [hbm4b:s2+s20], $0x80, s21, s20, $0xb8;
	[tilespmem:$0x1E080] =	vst v63  }
.Ltmp0:
0x23c: {  	s19 =	simm.s32 $0x16880;
	s22 =	rddreg [dreg:$0x6];
	(pc) =	sbr.rel @p1 .LBB2_2-.Ltmp0, $4  }
0x23d: {  	s30 =	simm.s32 $0x13D80;
	s26 =	rddreg [dreg:$0x5];
	s10 =	sadd.s32 s8, s22  }
0x23e: {  	[spmem:s0] =	stream.indirect.scatter.add.f32 [tilespmem:s25], [sflag:$0x10], $0x80, s31, s20, $0xb8;
	[tilespmem:$0x1E080] =	vst v63  }
0x23f: {  	s8 =	sadd.s32 s8, s26;
	s29 =	simm.s32 $0x13A00;
	s25 =	simm.s32 $0x13A00  }
0x240: {  	[tilespmem:s29], [sflag:$0x4] =	stream.linear.gather [hbm4b:s10+s3], $0x50, $0x38;
	[tilespmem:$0x1E080] =	vst v63  }
0x241: {  	s10 =	simm.s32 $0x13E00;
	s11 =	simm.s32 $0x9  }
0x242: {  	[tilespmem:s10], [sflag:$0x4] =	stream.linear.gather [hbm4b:s8+s3], $0x50, $0x38;
	[tilespmem:$0x1E080] =	vst v63  }
0x243: {  	_ =	swait.ge [sflag:s11], $0x2800  }
0x244: {  	[sflag:s11] =	ssyncset.done $0x0  }
0x245: {  	s9 =	simm.s32 $0x10;
	[sflag:s11] =	ssyncadd.s32 $0xFFFFD800  }
0x246: {  	_ =	swait.ge [sflag:s9], $0x2800  }
0x247: {  	[sflag:s9] =	ssyncset.done $0x0  }
0x248: {  	s1 =	simm.s32 $0x4;
	[sflag:s9] =	ssyncadd.s32 $0xFFFFD800  }
0x249: {  	_ =	swait.ge [sflag:s1], $0x50  }
0x24a: {  	[sflag:s1] =	ssyncset.done $0x0  }
0x24b: {  	[sflag:s1] =	ssyncadd.s32 $0xFFFFFFB0  }
0x24c: {  	_ =	swait.ge [sflag:s1], $0x50  }
0x24d: {  	[sflag:s1] =	ssyncset.done $0x0  }
0x24e: {  	s7 =	sld [smem:$0x7F5];
	[sflag:s1] =	ssyncadd.s32 $0xFFFFFFB0  }
0x24f: {  	s6 =	simm.s32 $0x1B880;
	s0 =	rddreg [dreg:$0x0]  }
0x250: {  	[tilespmem:s6], [sflag:$0xC] =	stream.indirect.gather [hbm4b:s0+s20], $0x80, s25, s20, $0xb8;
	[tilespmem:$0x1E080] =	vst v63  }
0x251: {  	s28 =	simm.s32 $0x14080;
	s2 =	rddreg [dreg:$0x3]  }
0x252: {  	[spmem:s2] =	stream.indirect.scatter.add.f32 [tilespmem:s28], [sflag:$0xD], $0x80, s17, s20, $0xb8;
	[tilespmem:$0x1E080] =	vst v63  }
0x253: {  	s12 =	simm.s32 $0x13A80;
	s13 =	sld [smem:$0x7F4]  }
0x254: {  	[tilespmem:s12], [sflag:$0x5] =	stream.linear.gather [hbm4b:s7+s3], $0x50, $0x38;
	[tilespmem:$0x1E080] =	vst v63  }
0x255: {  	s14 =	simm.s32 $0xA;
	s7 =	simm.s32 $0x13E80  }
0x256: {  	[tilespmem:s7], [sflag:$0x5] =	stream.linear.gather [hbm4b:s13+s3], $0x50, $0x38;
	[tilespmem:$0x1E080] =	vst v63  }
0x257: {  	_ =	swait.ge [sflag:s14], $0x2800  }
0x258: {  	[sflag:s14] =	ssyncset.done $0x0  }
0x259: {  	s15 =	simm.s32 $0xD;
	[sflag:s14] =	ssyncadd.s32 $0xFFFFD800  }
0x25a: {  	_ =	swait.ge [sflag:s15], $0x2800  }
0x25b: {  	[sflag:s15] =	ssyncset.done $0x0  }
0x25c: {  	s5 =	simm.s32 $0x5;
	[sflag:s15] =	ssyncadd.s32 $0xFFFFD800  }
0x25d: {  	_ =	swait.ge [sflag:s5], $0x50  }
0x25e: {  	[sflag:s5] =	ssyncset.done $0x0  }
0x25f: {  	[sflag:s5] =	ssyncadd.s32 $0xFFFFFFB0  }
0x260: {  	_ =	swait.ge [sflag:s5], $0x50  }
0x261: {  	[sflag:s5] =	ssyncset.done $0x0  }
0x262: {  	[sflag:s5] =	ssyncadd.s32 $0xFFFFFFB0  }
0x263: {  	[tilespmem:s28], [sflag:$0x9] =	stream.indirect.gather [hbm4b:s0+s20], $0x80, s12, s20, $0xb8;
	[tilespmem:$0x1E080] =	vst v63  }
0x264: {  	s17 =	simm.s32 $0xB  }
0x265: {  	[spmem:s2] =	stream.indirect.scatter.add.f32 [tilespmem:s19], [sflag:$0xE], $0x80, s23, s20, $0xb8;
	[tilespmem:$0x1E080] =	vst v63  }
0x266: {  	_ =	swait.ge [sflag:s17], $0x2800  }
0x267: {  	[sflag:s17] =	ssyncset.done $0x0  }
0x268: {  	s18 =	simm.s32 $0xE;
	[sflag:s17] =	ssyncadd.s32 $0xFFFFD800  }
0x269: {  	_ =	swait.ge [sflag:s18], $0x2800  }
0x26a: {  	[sflag:s18] =	ssyncset.done $0x0  }
0x26b: {  	s19 =	simm.s32 $0xC;
	[sflag:s18] =	ssyncadd.s32 $0xFFFFD800  }
0x26c: {  	[spmem:s2] =	stream.indirect.scatter.add.f32 [tilespmem:s4], [sflag:$0xF], $0x80, s30, s20, $0xb8;
	[tilespmem:$0x1E080] =	vst v63  }
0x26d: {  	_ =	swait.ge [sflag:s19], $0x2800  }
0x26e: {  	[sflag:s19] =	ssyncset.done $0x0  }
0x26f: {  	s22 =	simm.s32 $0xF;
	[sflag:s19] =	ssyncadd.s32 $0xFFFFD800  }
0x270: {  	_ =	swait.ge [sflag:s22], $0x2800  }
0x271: {  	[sflag:s22] =	ssyncset.done $0x0  }
0x272: {  	[sflag:s22] =	ssyncadd.s32 $0xFFFFD800  }
0x273: {  	[spmem:s2] =	stream.indirect.scatter.add.f32 [tilespmem:s6], [sflag:$0x10], $0x80, s10, s20, $0xb8;
	[tilespmem:$0x1E080] =	vst v63  }
0x274: {  	_ =	swait.ge [sflag:s11], $0x2800  }
0x275: {  	[sflag:s11] =	ssyncset.done $0x0  }
0x276: {  	[sflag:s11] =	ssyncadd.s32 $0xFFFFD800  }
0x277: {  	_ =	swait.ge [sflag:s9], $0x2800  }
0x278: {  	[sflag:s9] =	ssyncset.done $0x0  }
0x279: {  	[sflag:s9] =	ssyncadd.s32 $0xFFFFD800  }
0x27a: {  	[spmem:s2] =	stream.indirect.scatter.add.f32 [tilespmem:s28], [sflag:$0xD], $0x80, s7, s20, $0xb8;
	[tilespmem:$0x1E080] =	vst v63  }
0x27b: {  	_ =	swait.ge [sflag:s15], $0x2800  }
0x27c: {  	[sflag:s15] =	ssyncset.done $0x0  }
0x27d: {  	[sflag:s15] =	ssyncadd.s32 $0xFFFFD800  }
0x27e: {  	[bflag:$0x0] =	sbarrier.arrive $0xFFFF  }
0x27f: {  	s23 =	sld [smem:$0x7FB]  }
0x280: {  	s25 =	sld [smem:$0x7E4];
	_ =	sdelay $0x1  }
0x281: {  	s26 =	simm.s32 $0x12;
	s24 =	rddreg [dreg:$0x1d];
	s1 =	sor.u32 $0x1C12, s23  }
0x282: {  	[hbm:s24], [sflag:s1] =	dma.local [spmem:s25], $0x2700  }
0x283: {  	_ =	swait.ge [sflag:s26], $0x2700  }
0x284: {  	s8 =	sld [smem:$0x7F9]  }
0x285: {  	s0 =	sld [smem:$0x7E5]  }
0x286: {  	[sflag:s26] =	ssyncset.done $0x0  }
0x287: {  	[sflag:s26] =	ssyncadd.s32 $0xFFFFD900  }
0x288: {  	[hbm:s8], [sflag:s1] =	dma.local @!p0 [spmem:s0], $0x100  }
0x289: {  	s1 =	simm.s32 @!p0 $0x12  }
0x28a: {  	_ =	swait.ge @!p0 [sflag:s1], $0x100  }
0x28b: {  	s28 =	sld [smem:$0x7E3]  }
0x28c: {  	s30 =	sld [smem:$0x7FA];
	_ =	sdelay $0x1  }
0x28d: {  	s0 =	sadd.s32 $0x1, s28  }
0x28e: {  	p1 =	sne.s32 s0, s30  }
.Ltmp1:
0x28f: {  	_ = 	snop;
	(pc) =	sbr.rel @p1 .LBB2_1-.Ltmp1, $4  }
0x290: {  	s29 =	simm.s32 $0x13C00  }
0x291: {  	s13 =	simm.s32 $0x13B80;
	s19 =	simm.s32 $0x1;
	s22 =	simm.s32 $0x2  }
0x292: {  	s9 =	simm.s32 $0x6;
	s15 =	simm.s32 $0x7;
	[sflag:s1] =	ssyncset.done @!p0 $0x0  }
0x293: {  	s25 =	simm.s32 $0x13880;
	s24 =	simm.s32 $0x3;
	[sflag:s1] =	ssyncadd.s32 @!p0 $0xFFFFFF00  }
0x294: {  	_ =	sfence.sel $0x180000  }
0x295: {  	[bflag:$0x0] =	sbarrier.arrive $0xFFFF  }
0x296: {  	_ =	strace $0x90000047  }
0x297: {  	[bflag:$0x2] =	sbarrier.arrive $0xFFFF  }
0x298: {  	s0 =	rddreg [dreg:$0x4]  }
0x299: {  	s0 =	sadd.s32 @!p0 $0x100000, s0  }
0x29a: {  	[sflag:s0] =	ssyncadd.tile.s32 @!p0 $0x1;
	_ =	shalt  }
.Lfunc_end2:
_tile_overlayer_lowered:
.L_overlay_start_2:
0x29b: {  	(tag) =	ssettag $0x2  }
0x29c: {  	s0 =	rddreg [dreg:$0x0];
	s2 =	stileid.u32  }
0x29d: {  	s1 =	rddreg [dreg:$0x1];
	p0 =	sne.s32 s2, $0x0  }
0x29e: {  	s3 =	rddreg [dreg:$0x2];
	[bflag:$0x3] =	sbarrier.arrive $0xFFFF;
	s2 =	simm.s32 @!p0 $0x1C12  }
0x29f: {  	[timem:s3], [sflag:s2] =	dma.local @!p0 [hbm:s0], s1  }
0x2a0: {  	s0 =	simm.s32 @!p0 $0x12  }
0x2a1: {  	_ =	swait.ge @!p0 [sflag:s0], s1  }
0x2a2: {  	s1 =	ssub.s32 @!p0 $0x0, s1;
	[sflag:s0] =	ssyncset.done @!p0 $0x0  }
0x2a3: {  	[sflag:s0] =	ssyncadd.s32 @!p0 s1  }
0x2a4: {  	[bflag:$0x3] =	sbarrier.arrive $0xFFFF  }
0x2a5: {  	_ =	shalt  }

</sc_bundles>
